<compile_context>
chip_gen: v7x
topology: tpu7x:2x2x1
jax: 0.10.2.dev20260603
libtpu: 0.0.44.dev20260713+nightly
codegen_flags: <defaults>
</compile_context>

<pallas_src>
import functools

import jax
import jax.numpy as jnp
from jax import lax
from jax.experimental import pallas as pl
from jax.experimental.pallas import tpu as pltpu
from jax.experimental.pallas import tpu_sc as plsc

N = 10000
E = 320000
D = 128
C = 20
EPS = 1e-5

NC = 2
NS = 16
NW = NC * NS
EPW = E // NW
K = 80
NCHUNK = EPW // K
EPP = EPW
M1 = N
RPT = 624
REM = N - NS * RPT


@functools.lru_cache(maxsize=None)
def _make_segsum():
  mesh = plsc.VectorSubcoreMesh(
      core_axis_name="c", subcore_axis_name="s",
      num_cores=NC, num_subcores=NS)

  @functools.partial(
      pl.kernel,
      out_type=jax.ShapeDtypeStruct((NC, N, D), jnp.float32),
      mesh=mesh,
      scratch_types=[
          pltpu.VMEM((EPP,), jnp.int32),
          pltpu.VMEM((EPP,), jnp.int32),
          pltpu.VMEM((K, D), jnp.float32),
          pltpu.VMEM((K, D), jnp.float32),
          pltpu.VMEM_SHARED((M1, D), jnp.float32),
          pltpu.SemaphoreType.DMA,
          pltpu.SemaphoreType.DMA,
      ],
  )
  def seg(edge_hbm, x_hbm, z_hbm, out_hbm,
          src_v, dst_v, buf_a, buf_b, acc, sem_a, sem_b):
    c = lax.axis_index("c")
    s = lax.axis_index("s")
    wid = s * NC + c
    cp_s = pltpu.async_copy(edge_hbm.at[0, wid], src_v, sem_a)
    cp_d = pltpu.async_copy(edge_hbm.at[1, wid], dst_v, sem_b)
    pltpu.sync_copy(z_hbm.at[pl.ds(s * RPT, RPT)], acc.at[pl.ds(s * RPT, RPT)])
    cp_s.wait()
    cp_d.wait()

    @pl.when(s == NS - 1)
    def _():
      pltpu.sync_copy(z_hbm.at[pl.ds(NS * RPT, REM)], acc.at[pl.ds(NS * RPT, REM)])

    plsc.subcore_barrier()

    pltpu.async_copy(x_hbm.at[src_v.at[pl.ds(0, K)]], buf_a, sem_a)

    @pl.loop(0, (NCHUNK - 1) // 2)
    def _(i):
      j = i * 2
      pltpu.async_copy(x_hbm.at[src_v.at[pl.ds((j + 1) * K, K)]], buf_b, sem_b)
      pltpu.make_async_copy(x_hbm.at[src_v.at[pl.ds(j * K, K)]], buf_a, sem_a).wait()
      pltpu.sync_copy(buf_a, acc.at[dst_v.at[pl.ds(j * K, K)]], add=True)
      pltpu.async_copy(x_hbm.at[src_v.at[pl.ds((j + 2) * K, K)]], buf_a, sem_a)
      pltpu.make_async_copy(x_hbm.at[src_v.at[pl.ds((j + 1) * K, K)]], buf_b, sem_b).wait()
      pltpu.sync_copy(buf_b, acc.at[dst_v.at[pl.ds((j + 1) * K, K)]], add=True)

    last = NCHUNK - 1
    pltpu.make_async_copy(x_hbm.at[src_v.at[pl.ds(last * K, K)]], buf_a, sem_a).wait()
    pltpu.sync_copy(buf_a, acc.at[dst_v.at[pl.ds(last * K, K)]], add=True)

    plsc.subcore_barrier()
    pltpu.sync_copy(acc.at[pl.ds(s * RPT, RPT)],
                    out_hbm.at[c, pl.ds(s * RPT, RPT)])

    @pl.when(s == NS - 1)
    def _():
      pltpu.sync_copy(acc.at[pl.ds(NS * RPT, REM)],
                      out_hbm.at[c, pl.ds(NS * RPT, REM)])

  return seg


def _dot3(a, b):
  f32 = jnp.float32
  ah = a.astype(jnp.bfloat16)
  al = (a - ah.astype(f32)).astype(jnp.bfloat16)
  bh = b.astype(jnp.bfloat16)
  bl = (b - bh.astype(f32)).astype(jnp.bfloat16)
  d = lambda u, v: jnp.dot(u, v, preferred_element_type=f32)
  return d(ah, bh) + (d(al, bh) + d(ah, bl))


def _inorm(y):
  m = jnp.mean(y, axis=0, keepdims=True)
  v = jnp.mean((y - m) ** 2, axis=0, keepdims=True)
  return (y - m) * jax.lax.rsqrt(v + EPS)


def _stem_body(p_ref, w_ref, b_ref, x_ref, inv_ref):
  a = p_ref[0] + p_ref[1]
  inv = 1.0 / jnp.maximum(a[:, 4:5], 1.0)
  y = (jnp.dot(a[:, 0:16], w_ref[...], preferred_element_type=jnp.float32,
               precision=lax.Precision.HIGHEST)
       * inv + b_ref[...])
  x_ref[...] = jnp.maximum(_inorm(y), 0.0)
  inv_ref[...] = inv


def _mid_body(p_ref, inv_ref, w_ref, b_ref, h_ref):
  a = p_ref[0] + p_ref[1]
  y = (_dot3(a, w_ref[...])
       * inv_ref[...] + b_ref[...])
  h_ref[...] = jnp.maximum(_inorm(y), 0.0)


def _final_a_body(p_ref, inv_ref, w2_ref, b2_ref, y_ref):
  a = p_ref[0] + p_ref[1]
  y = (_dot3(a, w2_ref[...])
       * inv_ref[...] + b2_ref[...])
  y_ref[...] = _inorm(y)


def _final_b_body(y_ref, x_ref, wse_ref,
                  bse_ref, wlin_ref, blin_ref, wh_ref,
                  logits_ref, se_ref, loss_ref):
  x = x_ref[...]
  h2 = y_ref[...] + x
  xt = jnp.maximum(_inorm(h2), 0.0)
  se = _inorm(_dot3(xt, wse_ref[...])
              + bse_ref[...])
  se = jnp.where(se >= 0.0, se, 0.2 * se)
  x2 = se + xt
  logits = (_dot3(x2, wlin_ref[...])
            + blin_ref[...])
  m = jnp.max(logits, axis=1, keepdims=True)
  lse = jnp.log(jnp.sum(jnp.exp(logits - m), axis=1, keepdims=True)) + m
  wh = wh_ref[...]
  loss = jnp.sum(wh * (lse - logits)) / jnp.maximum(jnp.sum(wh), EPS)
  logits_ref[...] = logits
  se_ref[...] = se
  loss_ref[...] = jnp.reshape(loss, (1, 1))


def kernel(coords, feat, label, weights, edge_index,
           W_in, b_in, W1, b1, W2, b2, W_se, b_se, W_lin, b_lin):
  f32 = jnp.float32
  edges = edge_index.astype(jnp.int32).reshape(2, NW, EPW)
  wh = jnp.where((label[:, None] == jnp.arange(C, dtype=label.dtype)[None, :])
                 & (label >= 0)[:, None],
                 weights[None, :].astype(f32), 0.0)

  table_stem = jnp.concatenate(
      [feat.astype(f32), jnp.ones((N, 1), f32), jnp.zeros((N, D - 5), f32)],
      axis=1)
  z128 = jnp.zeros((N, D), f32)
  w16 = jnp.zeros((16, D), f32).at[0:4, :].set(W_in)
  segsum = _make_segsum()

  q = segsum(edges, table_stem, z128)
  x, inv = pl.pallas_call(
      _stem_body,
      out_shape=(jax.ShapeDtypeStruct((N, D), f32),
                 jax.ShapeDtypeStruct((N, 1), f32)),
  )(q, w16, b_in.reshape(1, D))

  p = segsum(edges, x, z128)
  h = pl.pallas_call(
      _mid_body,
      out_shape=jax.ShapeDtypeStruct((N, D), f32),
  )(p, inv, W1, b1.reshape(1, D))

  r = segsum(edges, h, z128)
  y2 = pl.pallas_call(
      _final_a_body,
      out_shape=jax.ShapeDtypeStruct((N, D), f32),
  )(r, inv, W2, b2.reshape(1, D))
  logits, se, loss = pl.pallas_call(
      _final_b_body,
      out_shape=(jax.ShapeDtypeStruct((N, C), f32),
                 jax.ShapeDtypeStruct((N, D), f32),
                 jax.ShapeDtypeStruct((1, 1), f32)),
  )(y2, x, W_se, b_se.reshape(1, D),
    W_lin, b_lin.reshape(1, C), wh)

  return logits, se, loss.reshape(())

# --- scband reference (transcript-rebuilt; emitter-appended) ---
"""Pipeline reference for scband-sparse-seg-net-51299089383597 (READ-ONLY COPY).

The authoritative reference and input builder live on the scoring server;
editing this copy changes nothing except your own understanding.
"""

import jax, jax.numpy as jnp
import numpy as np

N = 10000
E = 320000
IN = 4
D = 128
C = 20
EPS = 1e-5


def _inorm(x):
    m = jnp.mean(x, axis=0, keepdims=True)
    v = jnp.var(x, axis=0, keepdims=True)
    return (x - m) / jnp.sqrt(v + EPS)


def _sconv(x, W, b, src, dst):
    # Sparse 3D conv approximated as neighborhood message passing with
    # unweighted-average aggregation (Minkowski UNWEIGHTED_AVERAGE mode).
    msg = jnp.take(x, src, axis=0) @ W
    agg = jax.ops.segment_sum(msg, dst, num_segments=N)
    deg = jax.ops.segment_sum(jnp.ones((msg.shape[0],), dtype=x.dtype), dst, num_segments=N)
    return agg / jnp.maximum(deg, 1.0)[:, None] + b


def setup_inputs(seed: int = 0) -> dict:
    key = jax.random.key(seed)
    ks = jax.random.split(key, 12)
    coords = jax.random.uniform(ks[0], (N, 4), dtype=jnp.float32)
    feat = jax.random.normal(ks[1], (N, IN), dtype=jnp.float32)
    label = jax.random.randint(ks[2], (N,), 0, C)
    weights = jax.random.uniform(ks[3], (C,), dtype=jnp.float32)
    edge_index = jax.random.randint(ks[4], (2, E), 0, N)

    def p(k, shape, fan):
        return (jax.random.normal(k, shape, dtype=jnp.float32) / np.sqrt(fan)).astype(jnp.float32)

    return {
        "coords": coords,
        "feat": feat,
        "label": label,
        "weights": weights,
        "edge_index": edge_index,
        "W_in": p(ks[5], (IN, D), IN), "b_in": jnp.zeros((D,), jnp.float32),
        "W1": p(ks[6], (D, D), D), "b1": jnp.zeros((D,), jnp.float32),
        "W2": p(ks[7], (D, D), D), "b2": jnp.zeros((D,), jnp.float32),
        "W_se": p(ks[8], (D, D), D), "b_se": jnp.zeros((D,), jnp.float32),
        "W_lin": p(ks[9], (D, C), D), "b_lin": jnp.zeros((C,), jnp.float32),
    }


def reference(coords, feat, label, weights, edge_index,
              W_in, b_in, W1, b1, W2, b2, W_se, b_se, W_lin, b_lin):
    src = edge_index[0]
    dst = edge_index[1]
    # stem: sparse conv -> instance norm -> relu
    x = jax.nn.relu(_inorm(_sconv(feat, W_in, b_in, src, dst)))
    # MinkUNet-style residual sparse conv block
    h = jax.nn.relu(_inorm(_sconv(x, W1, b1, src, dst)))
    h = _inorm(_sconv(h, W2, b2, src, dst)) + x
    x = jax.nn.relu(_inorm(h))
    # shape embedding: Conv1d(k=1) == linear, InstanceNorm1d over points, LeakyReLU(0.2)
    se = jax.nn.leaky_relu(_inorm(x @ W_se + b_se), 0.2)
    x2 = se + x
    logits = x2 @ W_lin + b_lin
    # weighted cross entropy with ignore_index=-100
    logp = jax.nn.log_softmax(logits, axis=-1)
    valid = (label >= 0)
    lab = jnp.clip(label, 0, C - 1)
    w = jnp.take(weights, lab) * valid.astype(logits.dtype)
    nll = -jnp.take_along_axis(logp, lab[:, None], axis=1)[:, 0]
    loss = jnp.sum(nll * w) / jnp.maximum(jnp.sum(w), EPS)
    return (logits, se, loss)

if __name__ == "__main__":
    import jax
    _d = setup_inputs()
    print(jax.jit(kernel)(*tuple(_d.values())))

</pallas_src>

<mosaic_0001>
#map = affine_map<(d0, d1) -> (0, 0, 0)>
#map1 = affine_map<(d0, d1) -> (0, 0)>
module attributes {stable_mosaic.version = 14 : i64} {
  func.func @seg(%arg0: i32, %arg1: i32, %arg2: memref<2x32x10000xi32, #tpu.memory_space<hbm>>, %arg3: memref<10000x128xf32, #tpu.memory_space<hbm>>, %arg4: memref<10000x128xf32, #tpu.memory_space<hbm>>, %arg5: memref<2x10000x128xf32, #tpu.memory_space<hbm>>, %arg6: memref<10000xi32, #tpu.memory_space<vmem>>, %arg7: memref<10000xi32, #tpu.memory_space<vmem>>, %arg8: memref<80x128xf32, #tpu.memory_space<vmem>>, %arg9: memref<80x128xf32, #tpu.memory_space<vmem>>, %arg10: memref<10000x128xf32, #tpu.memory_space<vmem_shared>>, %arg11: memref<!tpu.dma_semaphore, #tpu.memory_space<semaphore_mem>>, %arg12: memref<!tpu.dma_semaphore, #tpu.memory_space<semaphore_mem>>) attributes {dimension_semantics = [#tpu.dimension_semantics<core_parallel>, #tpu.dimension_semantics<subcore_parallel>], iteration_bounds = array<i64: 2, 16>, scalar_prefetch = 0 : i64, scratch_operands = 7 : i64, tpu.core_type = #tpu.core_type<sc_vector_subcore>, window_params = [{transform_indices = #map}, {transform_indices = #map1}, {transform_indices = #map1}, {transform_indices = #map}]} {
    %mul3A = arith.constant 2 : i32
    %mul3A_0 = arith.muli %arg1, %mul3A : i32
    %add3A = arith.addi %mul3A_0, %arg0 : i32
    %dma_start3A = arith.constant 0 : i32
    %dma_start3A_1 = arith.constant 0 : i32
    %dma_start3A_2 = tpu.memref_slice %arg2[%dma_start3A, %add3A, %dma_start3A_1] : memref<2x32x10000xi32, #tpu.memory_space<hbm>> -> memref<1x1x10000xi32, #tpu.memory_space<hbm>>
    %dma_start3A_3 = tpu.memref_squeeze %dma_start3A_2 : memref<1x1x10000xi32, #tpu.memory_space<hbm>> -> memref<10000xi32, #tpu.memory_space<hbm>>
    %dma_start3A_4 = arith.constant 0 : i32
    %dma_start3A_5 = tpu.memref_slice %arg2[%dma_start3A, %add3A, %dma_start3A_4] : memref<2x32x10000xi32, #tpu.memory_space<hbm>> -> memref<1x1x10000xi32, #tpu.memory_space<hbm>>
    %dma_start3A_6 = tpu.memref_squeeze %dma_start3A_5 : memref<1x1x10000xi32, #tpu.memory_space<hbm>> -> memref<10000xi32, #tpu.memory_space<hbm>>
    tpu.enqueue_dma source(%dma_start3A_6 : memref<10000xi32, #tpu.memory_space<hbm>>) target(%arg6 : memref<10000xi32, #tpu.memory_space<vmem>>) target_semaphore(%arg11 : memref<!tpu.dma_semaphore, #tpu.memory_space<semaphore_mem>>)
    %dma_start3A_7 = arith.constant 1 : i32
    %dma_start3A_8 = arith.constant 0 : i32
    %dma_start3A_9 = tpu.memref_slice %arg2[%dma_start3A_7, %add3A, %dma_start3A_8] : memref<2x32x10000xi32, #tpu.memory_space<hbm>> -> memref<1x1x10000xi32, #tpu.memory_space<hbm>>
    %dma_start3A_10 = tpu.memref_squeeze %dma_start3A_9 : memref<1x1x10000xi32, #tpu.memory_space<hbm>> -> memref<10000xi32, #tpu.memory_space<hbm>>
    %dma_start3A_11 = arith.constant 0 : i32
    %dma_start3A_12 = tpu.memref_slice %arg2[%dma_start3A_7, %add3A, %dma_start3A_11] : memref<2x32x10000xi32, #tpu.memory_space<hbm>> -> memref<1x1x10000xi32, #tpu.memory_space<hbm>>
    %dma_start3A_13 = tpu.memref_squeeze %dma_start3A_12 : memref<1x1x10000xi32, #tpu.memory_space<hbm>> -> memref<10000xi32, #tpu.memory_space<hbm>>
    tpu.enqueue_dma source(%dma_start3A_13 : memref<10000xi32, #tpu.memory_space<hbm>>) target(%arg7 : memref<10000xi32, #tpu.memory_space<vmem>>) target_semaphore(%arg12 : memref<!tpu.dma_semaphore, #tpu.memory_space<semaphore_mem>>)
    %mul3A_14 = arith.constant 624 : i32
    %mul3A_15 = arith.muli %arg1, %mul3A_14 : i32
    %mul3A_16 = arith.constant 624 : i32
    %mul3A_17 = arith.muli %arg1, %mul3A_16 : i32
    "tpu.region"() ({
      %run_scoped3A = tpu.sem_alloc : memref<!tpu.dma_semaphore, #tpu.memory_space<semaphore_mem>>
      %dma_start3A_57 = arith.constant 0 : i32
      %dma_start3A_58 = tpu.memref_slice %arg10[%mul3A_17, %dma_start3A_57] : memref<10000x128xf32, #tpu.memory_space<vmem_shared>> -> memref<624x128xf32, #tpu.memory_space<vmem_shared>>
      %dma_start3A_59 = arith.constant 0 : i32
      %dma_start3A_60 = tpu.memref_slice %arg4[%mul3A_15, %dma_start3A_59] : memref<10000x128xf32, #tpu.memory_space<hbm>> -> memref<624x128xf32, #tpu.memory_space<hbm>>
      tpu.enqueue_dma source(%dma_start3A_60 : memref<624x128xf32, #tpu.memory_space<hbm>>) target(%dma_start3A_58 : memref<624x128xf32, #tpu.memory_space<vmem_shared>>) target_semaphore(%run_scoped3A : memref<!tpu.dma_semaphore, #tpu.memory_space<semaphore_mem>>)
      %dma_wait3A_61 = arith.constant 0 : i32
      %dma_wait3A_62 = tpu.memref_slice %arg10[%mul3A_17, %dma_wait3A_61] : memref<10000x128xf32, #tpu.memory_space<vmem_shared>> -> memref<624x128xf32, #tpu.memory_space<vmem_shared>>
      %dma_wait3A_63 = arith.constant 0 : i32
      %dma_wait3A_64 = tpu.memref_slice %arg4[%mul3A_15, %dma_wait3A_63] : memref<10000x128xf32, #tpu.memory_space<hbm>> -> memref<624x128xf32, #tpu.memory_space<hbm>>
      tpu.wait_dma2 semaphore(%run_scoped3A : memref<!tpu.dma_semaphore, #tpu.memory_space<semaphore_mem>>) src(%dma_wait3A_64 : memref<624x128xf32, #tpu.memory_space<hbm>>) dst(%dma_wait3A_62 : memref<624x128xf32, #tpu.memory_space<vmem_shared>>)
      tpu.yield
    }) : () -> ()
    %dma_wait3A = arith.constant 0 : i32
    %dma_wait3A_18 = arith.constant 0 : i32
    %dma_wait3A_19 = tpu.memref_slice %arg2[%dma_wait3A, %add3A, %dma_wait3A_18] : memref<2x32x10000xi32, #tpu.memory_space<hbm>> -> memref<1x1x10000xi32, #tpu.memory_space<hbm>>
    %dma_wait3A_20 = tpu.memref_squeeze %dma_wait3A_19 : memref<1x1x10000xi32, #tpu.memory_space<hbm>> -> memref<10000xi32, #tpu.memory_space<hbm>>
    %dma_wait3A_21 = arith.constant 0 : i32
    %dma_wait3A_22 = tpu.memref_slice %arg2[%dma_wait3A, %add3A, %dma_wait3A_21] : memref<2x32x10000xi32, #tpu.memory_space<hbm>> -> memref<1x1x10000xi32, #tpu.memory_space<hbm>>
    %dma_wait3A_23 = tpu.memref_squeeze %dma_wait3A_22 : memref<1x1x10000xi32, #tpu.memory_space<hbm>> -> memref<10000xi32, #tpu.memory_space<hbm>>
    tpu.wait_dma2 semaphore(%arg11 : memref<!tpu.dma_semaphore, #tpu.memory_space<semaphore_mem>>) src(%dma_wait3A_23 : memref<10000xi32, #tpu.memory_space<hbm>>) dst(%arg6 : memref<10000xi32, #tpu.memory_space<vmem>>)
    %dma_wait3A_24 = arith.constant 1 : i32
    %dma_wait3A_25 = arith.constant 0 : i32
    %dma_wait3A_26 = tpu.memref_slice %arg2[%dma_wait3A_24, %add3A, %dma_wait3A_25] : memref<2x32x10000xi32, #tpu.memory_space<hbm>> -> memref<1x1x10000xi32, #tpu.memory_space<hbm>>
    %dma_wait3A_27 = tpu.memref_squeeze %dma_wait3A_26 : memref<1x1x10000xi32, #tpu.memory_space<hbm>> -> memref<10000xi32, #tpu.memory_space<hbm>>
    %dma_wait3A_28 = arith.constant 0 : i32
    %dma_wait3A_29 = tpu.memref_slice %arg2[%dma_wait3A_24, %add3A, %dma_wait3A_28] : memref<2x32x10000xi32, #tpu.memory_space<hbm>> -> memref<1x1x10000xi32, #tpu.memory_space<hbm>>
    %dma_wait3A_30 = tpu.memref_squeeze %dma_wait3A_29 : memref<1x1x10000xi32, #tpu.memory_space<hbm>> -> memref<10000xi32, #tpu.memory_space<hbm>>
    tpu.wait_dma2 semaphore(%arg12 : memref<!tpu.dma_semaphore, #tpu.memory_space<semaphore_mem>>) src(%dma_wait3A_30 : memref<10000xi32, #tpu.memory_space<hbm>>) dst(%arg7 : memref<10000xi32, #tpu.memory_space<vmem>>)
    %eq3A = arith.constant 15 : i32
    %eq3A_31 = arith.cmpi eq, %arg1, %eq3A : i32
    %convert_element_type3A = arith.extui %eq3A_31 : i1 to i32
    %cond3A = arith.constant 0 : i32
    %cond3A_32 = arith.cmpi ne, %convert_element_type3A, %cond3A : i32
    scf.if %cond3A_32 {
      "tpu.region"() ({
        %run_scoped3A = tpu.sem_alloc : memref<!tpu.dma_semaphore, #tpu.memory_space<semaphore_mem>>
        %dma_start3A_57 = arith.constant 9984 : i32
        %dma_start3A_58 = arith.constant 0 : i32
        %dma_start3A_59 = tpu.memref_slice %arg10[%dma_start3A_57, %dma_start3A_58] : memref<10000x128xf32, #tpu.memory_space<vmem_shared>> -> memref<16x128xf32, #tpu.memory_space<vmem_shared>>
        %dma_start3A_60 = arith.constant 9984 : i32
        %dma_start3A_61 = arith.constant 0 : i32
        %dma_start3A_62 = tpu.memref_slice %arg4[%dma_start3A_60, %dma_start3A_61] : memref<10000x128xf32, #tpu.memory_space<hbm>> -> memref<16x128xf32, #tpu.memory_space<hbm>>
        tpu.enqueue_dma source(%dma_start3A_62 : memref<16x128xf32, #tpu.memory_space<hbm>>) target(%dma_start3A_59 : memref<16x128xf32, #tpu.memory_space<vmem_shared>>) target_semaphore(%run_scoped3A : memref<!tpu.dma_semaphore, #tpu.memory_space<semaphore_mem>>)
        %dma_wait3A_63 = arith.constant 9984 : i32
        %dma_wait3A_64 = arith.constant 0 : i32
        %dma_wait3A_65 = tpu.memref_slice %arg10[%dma_wait3A_63, %dma_wait3A_64] : memref<10000x128xf32, #tpu.memory_space<vmem_shared>> -> memref<16x128xf32, #tpu.memory_space<vmem_shared>>
        %dma_wait3A_66 = arith.constant 9984 : i32
        %dma_wait3A_67 = arith.constant 0 : i32
        %dma_wait3A_68 = tpu.memref_slice %arg4[%dma_wait3A_66, %dma_wait3A_67] : memref<10000x128xf32, #tpu.memory_space<hbm>> -> memref<16x128xf32, #tpu.memory_space<hbm>>
        tpu.wait_dma2 semaphore(%run_scoped3A : memref<!tpu.dma_semaphore, #tpu.memory_space<semaphore_mem>>) src(%dma_wait3A_68 : memref<16x128xf32, #tpu.memory_space<hbm>>) dst(%dma_wait3A_65 : memref<16x128xf32, #tpu.memory_space<vmem_shared>>)
        tpu.yield
      }) : () -> ()
    } else {
    }
    %barrier3A = arith.constant 0 : index
    tpu.barrier barrier_id(%barrier3A)
    %dma_start3A_33 = arith.constant 0 : i32
    %dma_start3A_34 = tpu.memref_slice %arg6[%dma_start3A_33] : memref<10000xi32, #tpu.memory_space<vmem>> -> memref<80xi32, #tpu.memory_space<vmem>>
    %dma_start3A_35 = arith.constant 0 : i32
    %dma_start3A_36 = arith.constant 0 : i32
    %dma_start3A_37 = tpu.memref_slice %arg3[%dma_start3A_35, %dma_start3A_36] : memref<10000x128xf32, #tpu.memory_space<hbm>> -> memref<10000x128xf32, #tpu.memory_space<hbm>>
    tpu.enqueue_indirect_dma source(%dma_start3A_37 : memref<10000x128xf32, #tpu.memory_space<hbm>>) target(%arg8 : memref<80x128xf32, #tpu.memory_space<vmem>>) offsets(%dma_start3A_34 : memref<80xi32, #tpu.memory_space<vmem>>) semaphore(%arg11 : memref<!tpu.dma_semaphore, #tpu.memory_space<semaphore_mem>>)
    %scan3A = arith.constant 0 : i32
    %scan3A_38 = arith.constant 62 : i32
    %scan3A_39 = arith.addi %scan3A, %scan3A_38 : i32
    %scan3A_40 = arith.constant 1 : i32
    scf.for %scan3A_57 = %scan3A to %scan3A_39 step %scan3A_40  : i32 {
      %mul3A_58 = arith.constant 1 : i32
      %mul3A_59 = arith.muli %scan3A_57, %mul3A_58 : i32
      %add3A_60 = arith.constant 0 : i32
      %add3A_61 = arith.addi %add3A_60, %mul3A_59 : i32
      %mul3A_62 = arith.constant 2 : i32
      %mul3A_63 = arith.muli %add3A_61, %mul3A_62 : i32
      %add3A_64 = arith.constant 1 : i32
      %add3A_65 = arith.addi %mul3A_63, %add3A_64 : i32
      %mul3A_66 = arith.constant 80 : i32
      %mul3A_67 = arith.muli %add3A_65, %mul3A_66 : i32
      %dma_start3A_68 = tpu.memref_slice %arg6[%mul3A_67] : memref<10000xi32, #tpu.memory_space<vmem>> -> memref<80xi32, #tpu.memory_space<vmem>>
      %dma_start3A_69 = arith.constant 0 : i32
      %dma_start3A_70 = arith.constant 0 : i32
      %dma_start3A_71 = tpu.memref_slice %arg3[%dma_start3A_69, %dma_start3A_70] : memref<10000x128xf32, #tpu.memory_space<hbm>> -> memref<10000x128xf32, #tpu.memory_space<hbm>>
      tpu.enqueue_indirect_dma source(%dma_start3A_71 : memref<10000x128xf32, #tpu.memory_space<hbm>>) target(%arg9 : memref<80x128xf32, #tpu.memory_space<vmem>>) offsets(%dma_start3A_68 : memref<80xi32, #tpu.memory_space<vmem>>) semaphore(%arg12 : memref<!tpu.dma_semaphore, #tpu.memory_space<semaphore_mem>>)
      %mul3A_72 = arith.constant 80 : i32
      %mul3A_73 = arith.muli %mul3A_63, %mul3A_72 : i32
      %dma_wait3A_74 = tpu.memref_slice %arg6[%mul3A_73] : memref<10000xi32, #tpu.memory_space<vmem>> -> memref<80xi32, #tpu.memory_space<vmem>>
      %dma_wait3A_75 = arith.constant 0 : i32
      %dma_wait3A_76 = arith.constant 0 : i32
      %dma_wait3A_77 = tpu.memref_slice %arg3[%dma_wait3A_75, %dma_wait3A_76] : memref<10000x128xf32, #tpu.memory_space<hbm>> -> memref<10000x128xf32, #tpu.memory_space<hbm>>
      tpu.wait_indirect_dma semaphore(%arg11 : memref<!tpu.dma_semaphore, #tpu.memory_space<semaphore_mem>>) src(%dma_wait3A_77 : memref<10000x128xf32, #tpu.memory_space<hbm>>) dst(%arg8 : memref<80x128xf32, #tpu.memory_space<vmem>>)
      %mul3A_78 = arith.constant 80 : i32
      %mul3A_79 = arith.muli %mul3A_63, %mul3A_78 : i32
      "tpu.region"() ({
        %run_scoped3A = tpu.sem_alloc : memref<!tpu.dma_semaphore, #tpu.memory_space<semaphore_mem>>
        %dma_start3A_100 = tpu.memref_slice %arg7[%mul3A_79] : memref<10000xi32, #tpu.memory_space<vmem>> -> memref<80xi32, #tpu.memory_space<vmem>>
        %dma_start3A_101 = arith.constant 0 : i32
        %dma_start3A_102 = arith.constant 0 : i32
        %dma_start3A_103 = tpu.memref_slice %arg10[%dma_start3A_101, %dma_start3A_102] : memref<10000x128xf32, #tpu.memory_space<vmem_shared>> -> memref<10000x128xf32, #tpu.memory_space<vmem_shared>>
        tpu.enqueue_indirect_dma source(%arg8 : memref<80x128xf32, #tpu.memory_space<vmem>>) target(%dma_start3A_103 : memref<10000x128xf32, #tpu.memory_space<vmem_shared>>) offsets(%dma_start3A_100 : memref<80xi32, #tpu.memory_space<vmem>>) semaphore(%run_scoped3A : memref<!tpu.dma_semaphore, #tpu.memory_space<semaphore_mem>>) {add = true}
        %dma_wait3A_104 = tpu.memref_slice %arg7[%mul3A_79] : memref<10000xi32, #tpu.memory_space<vmem>> -> memref<80xi32, #tpu.memory_space<vmem>>
        %dma_wait3A_105 = arith.constant 0 : i32
        %dma_wait3A_106 = arith.constant 0 : i32
        %dma_wait3A_107 = tpu.memref_slice %arg10[%dma_wait3A_105, %dma_wait3A_106] : memref<10000x128xf32, #tpu.memory_space<vmem_shared>> -> memref<10000x128xf32, #tpu.memory_space<vmem_shared>>
        tpu.wait_indirect_dma semaphore(%run_scoped3A : memref<!tpu.dma_semaphore, #tpu.memory_space<semaphore_mem>>) src(%arg8 : memref<80x128xf32, #tpu.memory_space<vmem>>) dst(%dma_wait3A_107 : memref<10000x128xf32, #tpu.memory_space<vmem_shared>>)
        tpu.yield
      }) : () -> ()
      %add3A_80 = arith.constant 2 : i32
      %add3A_81 = arith.addi %mul3A_63, %add3A_80 : i32
      %mul3A_82 = arith.constant 80 : i32
      %mul3A_83 = arith.muli %add3A_81, %mul3A_82 : i32
      %dma_start3A_84 = tpu.memref_slice %arg6[%mul3A_83] : memref<10000xi32, #tpu.memory_space<vmem>> -> memref<80xi32, #tpu.memory_space<vmem>>
      %dma_start3A_85 = arith.constant 0 : i32
      %dma_start3A_86 = arith.constant 0 : i32
      %dma_start3A_87 = tpu.memref_slice %arg3[%dma_start3A_85, %dma_start3A_86] : memref<10000x128xf32, #tpu.memory_space<hbm>> -> memref<10000x128xf32, #tpu.memory_space<hbm>>
      tpu.enqueue_indirect_dma source(%dma_start3A_87 : memref<10000x128xf32, #tpu.memory_space<hbm>>) target(%arg8 : memref<80x128xf32, #tpu.memory_space<vmem>>) offsets(%dma_start3A_84 : memref<80xi32, #tpu.memory_space<vmem>>) semaphore(%arg11 : memref<!tpu.dma_semaphore, #tpu.memory_space<semaphore_mem>>)
      %add3A_88 = arith.constant 1 : i32
      %add3A_89 = arith.addi %mul3A_63, %add3A_88 : i32
      %mul3A_90 = arith.constant 80 : i32
      %mul3A_91 = arith.muli %add3A_89, %mul3A_90 : i32
      %dma_wait3A_92 = tpu.memref_slice %arg6[%mul3A_91] : memref<10000xi32, #tpu.memory_space<vmem>> -> memref<80xi32, #tpu.memory_space<vmem>>
      %dma_wait3A_93 = arith.constant 0 : i32
      %dma_wait3A_94 = arith.constant 0 : i32
      %dma_wait3A_95 = tpu.memref_slice %arg3[%dma_wait3A_93, %dma_wait3A_94] : memref<10000x128xf32, #tpu.memory_space<hbm>> -> memref<10000x128xf32, #tpu.memory_space<hbm>>
      tpu.wait_indirect_dma semaphore(%arg12 : memref<!tpu.dma_semaphore, #tpu.memory_space<semaphore_mem>>) src(%dma_wait3A_95 : memref<10000x128xf32, #tpu.memory_space<hbm>>) dst(%arg9 : memref<80x128xf32, #tpu.memory_space<vmem>>)
      %add3A_96 = arith.constant 1 : i32
      %add3A_97 = arith.addi %mul3A_63, %add3A_96 : i32
      %mul3A_98 = arith.constant 80 : i32
      %mul3A_99 = arith.muli %add3A_97, %mul3A_98 : i32
      "tpu.region"() ({
        %run_scoped3A = tpu.sem_alloc : memref<!tpu.dma_semaphore, #tpu.memory_space<semaphore_mem>>
        %dma_start3A_100 = tpu.memref_slice %arg7[%mul3A_99] : memref<10000xi32, #tpu.memory_space<vmem>> -> memref<80xi32, #tpu.memory_space<vmem>>
        %dma_start3A_101 = arith.constant 0 : i32
        %dma_start3A_102 = arith.constant 0 : i32
        %dma_start3A_103 = tpu.memref_slice %arg10[%dma_start3A_101, %dma_start3A_102] : memref<10000x128xf32, #tpu.memory_space<vmem_shared>> -> memref<10000x128xf32, #tpu.memory_space<vmem_shared>>
        tpu.enqueue_indirect_dma source(%arg9 : memref<80x128xf32, #tpu.memory_space<vmem>>) target(%dma_start3A_103 : memref<10000x128xf32, #tpu.memory_space<vmem_shared>>) offsets(%dma_start3A_100 : memref<80xi32, #tpu.memory_space<vmem>>) semaphore(%run_scoped3A : memref<!tpu.dma_semaphore, #tpu.memory_space<semaphore_mem>>) {add = true}
        %dma_wait3A_104 = tpu.memref_slice %arg7[%mul3A_99] : memref<10000xi32, #tpu.memory_space<vmem>> -> memref<80xi32, #tpu.memory_space<vmem>>
        %dma_wait3A_105 = arith.constant 0 : i32
        %dma_wait3A_106 = arith.constant 0 : i32
        %dma_wait3A_107 = tpu.memref_slice %arg10[%dma_wait3A_105, %dma_wait3A_106] : memref<10000x128xf32, #tpu.memory_space<vmem_shared>> -> memref<10000x128xf32, #tpu.memory_space<vmem_shared>>
        tpu.wait_indirect_dma semaphore(%run_scoped3A : memref<!tpu.dma_semaphore, #tpu.memory_space<semaphore_mem>>) src(%arg9 : memref<80x128xf32, #tpu.memory_space<vmem>>) dst(%dma_wait3A_107 : memref<10000x128xf32, #tpu.memory_space<vmem_shared>>)
        tpu.yield
      }) : () -> ()
    }
    %scan3A_41 = arith.constant 62 : i32
    %dma_wait3A_42 = arith.constant 9920 : i32
    %dma_wait3A_43 = tpu.memref_slice %arg6[%dma_wait3A_42] : memref<10000xi32, #tpu.memory_space<vmem>> -> memref<80xi32, #tpu.memory_space<vmem>>
    %dma_wait3A_44 = arith.constant 0 : i32
    %dma_wait3A_45 = arith.constant 0 : i32
    %dma_wait3A_46 = tpu.memref_slice %arg3[%dma_wait3A_44, %dma_wait3A_45] : memref<10000x128xf32, #tpu.memory_space<hbm>> -> memref<10000x128xf32, #tpu.memory_space<hbm>>
    tpu.wait_indirect_dma semaphore(%arg11 : memref<!tpu.dma_semaphore, #tpu.memory_space<semaphore_mem>>) src(%dma_wait3A_46 : memref<10000x128xf32, #tpu.memory_space<hbm>>) dst(%arg8 : memref<80x128xf32, #tpu.memory_space<vmem>>)
    "tpu.region"() ({
      %run_scoped3A = tpu.sem_alloc : memref<!tpu.dma_semaphore, #tpu.memory_space<semaphore_mem>>
      %dma_start3A_57 = arith.constant 9920 : i32
      %dma_start3A_58 = tpu.memref_slice %arg7[%dma_start3A_57] : memref<10000xi32, #tpu.memory_space<vmem>> -> memref<80xi32, #tpu.memory_space<vmem>>
      %dma_start3A_59 = arith.constant 0 : i32
      %dma_start3A_60 = arith.constant 0 : i32
      %dma_start3A_61 = tpu.memref_slice %arg10[%dma_start3A_59, %dma_start3A_60] : memref<10000x128xf32, #tpu.memory_space<vmem_shared>> -> memref<10000x128xf32, #tpu.memory_space<vmem_shared>>
      tpu.enqueue_indirect_dma source(%arg8 : memref<80x128xf32, #tpu.memory_space<vmem>>) target(%dma_start3A_61 : memref<10000x128xf32, #tpu.memory_space<vmem_shared>>) offsets(%dma_start3A_58 : memref<80xi32, #tpu.memory_space<vmem>>) semaphore(%run_scoped3A : memref<!tpu.dma_semaphore, #tpu.memory_space<semaphore_mem>>) {add = true}
      %dma_wait3A_62 = arith.constant 9920 : i32
      %dma_wait3A_63 = tpu.memref_slice %arg7[%dma_wait3A_62] : memref<10000xi32, #tpu.memory_space<vmem>> -> memref<80xi32, #tpu.memory_space<vmem>>
      %dma_wait3A_64 = arith.constant 0 : i32
      %dma_wait3A_65 = arith.constant 0 : i32
      %dma_wait3A_66 = tpu.memref_slice %arg10[%dma_wait3A_64, %dma_wait3A_65] : memref<10000x128xf32, #tpu.memory_space<vmem_shared>> -> memref<10000x128xf32, #tpu.memory_space<vmem_shared>>
      tpu.wait_indirect_dma semaphore(%run_scoped3A : memref<!tpu.dma_semaphore, #tpu.memory_space<semaphore_mem>>) src(%arg8 : memref<80x128xf32, #tpu.memory_space<vmem>>) dst(%dma_wait3A_66 : memref<10000x128xf32, #tpu.memory_space<vmem_shared>>)
      tpu.yield
    }) : () -> ()
    %barrier3A_47 = arith.constant 0 : index
    tpu.barrier barrier_id(%barrier3A_47)
    %mul3A_48 = arith.constant 624 : i32
    %mul3A_49 = arith.muli %arg1, %mul3A_48 : i32
    %mul3A_50 = arith.constant 624 : i32
    %mul3A_51 = arith.muli %arg1, %mul3A_50 : i32
    "tpu.region"() ({
      %run_scoped3A = tpu.sem_alloc : memref<!tpu.dma_semaphore, #tpu.memory_space<semaphore_mem>>
      %dma_start3A_57 = arith.constant 0 : i32
      %dma_start3A_58 = tpu.memref_slice %arg5[%arg0, %mul3A_51, %dma_start3A_57] : memref<2x10000x128xf32, #tpu.memory_space<hbm>> -> memref<1x624x128xf32, #tpu.memory_space<hbm>>
      %dma_start3A_59 = tpu.memref_squeeze %dma_start3A_58 : memref<1x624x128xf32, #tpu.memory_space<hbm>> -> memref<624x128xf32, #tpu.memory_space<hbm>>
      %dma_start3A_60 = arith.constant 0 : i32
      %dma_start3A_61 = tpu.memref_slice %arg10[%mul3A_49, %dma_start3A_60] : memref<10000x128xf32, #tpu.memory_space<vmem_shared>> -> memref<624x128xf32, #tpu.memory_space<vmem_shared>>
      tpu.enqueue_dma source(%dma_start3A_61 : memref<624x128xf32, #tpu.memory_space<vmem_shared>>) target(%dma_start3A_59 : memref<624x128xf32, #tpu.memory_space<hbm>>) target_semaphore(%run_scoped3A : memref<!tpu.dma_semaphore, #tpu.memory_space<semaphore_mem>>)
      %dma_wait3A_62 = arith.constant 0 : i32
      %dma_wait3A_63 = tpu.memref_slice %arg5[%arg0, %mul3A_51, %dma_wait3A_62] : memref<2x10000x128xf32, #tpu.memory_space<hbm>> -> memref<1x624x128xf32, #tpu.memory_space<hbm>>
      %dma_wait3A_64 = tpu.memref_squeeze %dma_wait3A_63 : memref<1x624x128xf32, #tpu.memory_space<hbm>> -> memref<624x128xf32, #tpu.memory_space<hbm>>
      %dma_wait3A_65 = arith.constant 0 : i32
      %dma_wait3A_66 = tpu.memref_slice %arg10[%mul3A_49, %dma_wait3A_65] : memref<10000x128xf32, #tpu.memory_space<vmem_shared>> -> memref<624x128xf32, #tpu.memory_space<vmem_shared>>
      tpu.wait_dma2 semaphore(%run_scoped3A : memref<!tpu.dma_semaphore, #tpu.memory_space<semaphore_mem>>) src(%dma_wait3A_66 : memref<624x128xf32, #tpu.memory_space<vmem_shared>>) dst(%dma_wait3A_64 : memref<624x128xf32, #tpu.memory_space<hbm>>)
      tpu.yield
    }) : () -> ()
    %eq3A_52 = arith.constant 15 : i32
    %eq3A_53 = arith.cmpi eq, %arg1, %eq3A_52 : i32
    %convert_element_type3A_54 = arith.extui %eq3A_53 : i1 to i32
    %cond3A_55 = arith.constant 0 : i32
    %cond3A_56 = arith.cmpi ne, %convert_element_type3A_54, %cond3A_55 : i32
    scf.if %cond3A_56 {
      "tpu.region"() ({
        %run_scoped3A = tpu.sem_alloc : memref<!tpu.dma_semaphore, #tpu.memory_space<semaphore_mem>>
        %dma_start3A_57 = arith.constant 9984 : i32
        %dma_start3A_58 = arith.constant 0 : i32
        %dma_start3A_59 = tpu.memref_slice %arg5[%arg0, %dma_start3A_57, %dma_start3A_58] : memref<2x10000x128xf32, #tpu.memory_space<hbm>> -> memref<1x16x128xf32, #tpu.memory_space<hbm>>
        %dma_start3A_60 = tpu.memref_squeeze %dma_start3A_59 : memref<1x16x128xf32, #tpu.memory_space<hbm>> -> memref<16x128xf32, #tpu.memory_space<hbm>>
        %dma_start3A_61 = arith.constant 9984 : i32
        %dma_start3A_62 = arith.constant 0 : i32
        %dma_start3A_63 = tpu.memref_slice %arg10[%dma_start3A_61, %dma_start3A_62] : memref<10000x128xf32, #tpu.memory_space<vmem_shared>> -> memref<16x128xf32, #tpu.memory_space<vmem_shared>>
        tpu.enqueue_dma source(%dma_start3A_63 : memref<16x128xf32, #tpu.memory_space<vmem_shared>>) target(%dma_start3A_60 : memref<16x128xf32, #tpu.memory_space<hbm>>) target_semaphore(%run_scoped3A : memref<!tpu.dma_semaphore, #tpu.memory_space<semaphore_mem>>)
        %dma_wait3A_64 = arith.constant 9984 : i32
        %dma_wait3A_65 = arith.constant 0 : i32
        %dma_wait3A_66 = tpu.memref_slice %arg5[%arg0, %dma_wait3A_64, %dma_wait3A_65] : memref<2x10000x128xf32, #tpu.memory_space<hbm>> -> memref<1x16x128xf32, #tpu.memory_space<hbm>>
        %dma_wait3A_67 = tpu.memref_squeeze %dma_wait3A_66 : memref<1x16x128xf32, #tpu.memory_space<hbm>> -> memref<16x128xf32, #tpu.memory_space<hbm>>
        %dma_wait3A_68 = arith.constant 9984 : i32
        %dma_wait3A_69 = arith.constant 0 : i32
        %dma_wait3A_70 = tpu.memref_slice %arg10[%dma_wait3A_68, %dma_wait3A_69] : memref<10000x128xf32, #tpu.memory_space<vmem_shared>> -> memref<16x128xf32, #tpu.memory_space<vmem_shared>>
        tpu.wait_dma2 semaphore(%run_scoped3A : memref<!tpu.dma_semaphore, #tpu.memory_space<semaphore_mem>>) src(%dma_wait3A_70 : memref<16x128xf32, #tpu.memory_space<vmem_shared>>) dst(%dma_wait3A_67 : memref<16x128xf32, #tpu.memory_space<hbm>>)
        tpu.yield
      }) : () -> ()
    } else {
    }
    return
  }
}

#map = affine_map<(d0, d1) -> (0, 0, 0)>
#map1 = affine_map<(d0, d1) -> (0, 0)>
module attributes {stable_mosaic.version = 14 : i64} {
  func.func @seg(%arg0: i32, %arg1: i32, %arg2: memref<2x32x10000xi32, #tpu.memory_space<hbm>>, %arg3: memref<10000x128xf32, #tpu.memory_space<hbm>>, %arg4: memref<10000x128xf32, #tpu.memory_space<hbm>>, %arg5: memref<2x10000x128xf32, #tpu.memory_space<hbm>>, %arg6: memref<10000xi32, #tpu.memory_space<vmem>>, %arg7: memref<10000xi32, #tpu.memory_space<vmem>>, %arg8: memref<80x128xf32, #tpu.memory_space<vmem>>, %arg9: memref<80x128xf32, #tpu.memory_space<vmem>>, %arg10: memref<10000x128xf32, #tpu.memory_space<vmem_shared>>, %arg11: memref<!tpu.dma_semaphore, #tpu.memory_space<semaphore_mem>>, %arg12: memref<!tpu.dma_semaphore, #tpu.memory_space<semaphore_mem>>) attributes {dimension_semantics = [#tpu.dimension_semantics<core_parallel>, #tpu.dimension_semantics<subcore_parallel>], iteration_bounds = array<i64: 2, 16>, scalar_prefetch = 0 : i64, scratch_operands = 7 : i64, tpu.core_type = #tpu.core_type<sc_vector_subcore>, window_params = [{transform_indices = #map}, {transform_indices = #map1}, {transform_indices = #map1}, {transform_indices = #map}]} {
    %mul3A = arith.constant 2 : i32
    %mul3A_0 = arith.muli %arg1, %mul3A : i32
    %add3A = arith.addi %mul3A_0, %arg0 : i32
    %dma_start3A = arith.constant 0 : i32
    %dma_start3A_1 = arith.constant 0 : i32
    %dma_start3A_2 = tpu.memref_slice %arg2[%dma_start3A, %add3A, %dma_start3A_1] : memref<2x32x10000xi32, #tpu.memory_space<hbm>> -> memref<1x1x10000xi32, #tpu.memory_space<hbm>>
    %dma_start3A_3 = tpu.memref_squeeze %dma_start3A_2 : memref<1x1x10000xi32, #tpu.memory_space<hbm>> -> memref<10000xi32, #tpu.memory_space<hbm>>
    %dma_start3A_4 = arith.constant 0 : i32
    %dma_start3A_5 = tpu.memref_slice %arg2[%dma_start3A, %add3A, %dma_start3A_4] : memref<2x32x10000xi32, #tpu.memory_space<hbm>> -> memref<1x1x10000xi32, #tpu.memory_space<hbm>>
    %dma_start3A_6 = tpu.memref_squeeze %dma_start3A_5 : memref<1x1x10000xi32, #tpu.memory_space<hbm>> -> memref<10000xi32, #tpu.memory_space<hbm>>
    tpu.enqueue_dma source(%dma_start3A_6 : memref<10000xi32, #tpu.memory_space<hbm>>) target(%arg6 : memref<10000xi32, #tpu.memory_space<vmem>>) target_semaphore(%arg11 : memref<!tpu.dma_semaphore, #tpu.memory_space<semaphore_mem>>)
    %dma_start3A_7 = arith.constant 1 : i32
    %dma_start3A_8 = arith.constant 0 : i32
    %dma_start3A_9 = tpu.memref_slice %arg2[%dma_start3A_7, %add3A, %dma_start3A_8] : memref<2x32x10000xi32, #tpu.memory_space<hbm>> -> memref<1x1x10000xi32, #tpu.memory_space<hbm>>
    %dma_start3A_10 = tpu.memref_squeeze %dma_start3A_9 : memref<1x1x10000xi32, #tpu.memory_space<hbm>> -> memref<10000xi32, #tpu.memory_space<hbm>>
    %dma_start3A_11 = arith.constant 0 : i32
    %dma_start3A_12 = tpu.memref_slice %arg2[%dma_start3A_7, %add3A, %dma_start3A_11] : memref<2x32x10000xi32, #tpu.memory_space<hbm>> -> memref<1x1x10000xi32, #tpu.memory_space<hbm>>
    %dma_start3A_13 = tpu.memref_squeeze %dma_start3A_12 : memref<1x1x10000xi32, #tpu.memory_space<hbm>> -> memref<10000xi32, #tpu.memory_space<hbm>>
    tpu.enqueue_dma source(%dma_start3A_13 : memref<10000xi32, #tpu.memory_space<hbm>>) target(%arg7 : memref<10000xi32, #tpu.memory_space<vmem>>) target_semaphore(%arg12 : memref<!tpu.dma_semaphore, #tpu.memory_space<semaphore_mem>>)
    %mul3A_14 = arith.constant 624 : i32
    %mul3A_15 = arith.muli %arg1, %mul3A_14 : i32
    %mul3A_16 = arith.constant 624 : i32
    %mul3A_17 = arith.muli %arg1, %mul3A_16 : i32
    "tpu.region"() ({
      %run_scoped3A = tpu.sem_alloc : memref<!tpu.dma_semaphore, #tpu.memory_space<semaphore_mem>>
      %dma_start3A_57 = arith.constant 0 : i32
      %dma_start3A_58 = tpu.memref_slice %arg10[%mul3A_17, %dma_start3A_57] : memref<10000x128xf32, #tpu.memory_space<vmem_shared>> -> memref<624x128xf32, #tpu.memory_space<vmem_shared>>
      %dma_start3A_59 = arith.constant 0 : i32
      %dma_start3A_60 = tpu.memref_slice %arg4[%mul3A_15, %dma_start3A_59] : memref<10000x128xf32, #tpu.memory_space<hbm>> -> memref<624x128xf32, #tpu.memory_space<hbm>>
      tpu.enqueue_dma source(%dma_start3A_60 : memref<624x128xf32, #tpu.memory_space<hbm>>) target(%dma_start3A_58 : memref<624x128xf32, #tpu.memory_space<vmem_shared>>) target_semaphore(%run_scoped3A : memref<!tpu.dma_semaphore, #tpu.memory_space<semaphore_mem>>)
      %dma_wait3A_61 = arith.constant 0 : i32
      %dma_wait3A_62 = tpu.memref_slice %arg10[%mul3A_17, %dma_wait3A_61] : memref<10000x128xf32, #tpu.memory_space<vmem_shared>> -> memref<624x128xf32, #tpu.memory_space<vmem_shared>>
      %dma_wait3A_63 = arith.constant 0 : i32
      %dma_wait3A_64 = tpu.memref_slice %arg4[%mul3A_15, %dma_wait3A_63] : memref<10000x128xf32, #tpu.memory_space<hbm>> -> memref<624x128xf32, #tpu.memory_space<hbm>>
      tpu.wait_dma2 semaphore(%run_scoped3A : memref<!tpu.dma_semaphore, #tpu.memory_space<semaphore_mem>>) src(%dma_wait3A_64 : memref<624x128xf32, #tpu.memory_space<hbm>>) dst(%dma_wait3A_62 : memref<624x128xf32, #tpu.memory_space<vmem_shared>>)
      tpu.yield
    }) : () -> ()
    %dma_wait3A = arith.constant 0 : i32
    %dma_wait3A_18 = arith.constant 0 : i32
    %dma_wait3A_19 = tpu.memref_slice %arg2[%dma_wait3A, %add3A, %dma_wait3A_18] : memref<2x32x10000xi32, #tpu.memory_space<hbm>> -> memref<1x1x10000xi32, #tpu.memory_space<hbm>>
    %dma_wait3A_20 = tpu.memref_squeeze %dma_wait3A_19 : memref<1x1x10000xi32, #tpu.memory_space<hbm>> -> memref<10000xi32, #tpu.memory_space<hbm>>
    %dma_wait3A_21 = arith.constant 0 : i32
    %dma_wait3A_22 = tpu.memref_slice %arg2[%dma_wait3A, %add3A, %dma_wait3A_21] : memref<2x32x10000xi32, #tpu.memory_space<hbm>> -> memref<1x1x10000xi32, #tpu.memory_space<hbm>>
    %dma_wait3A_23 = tpu.memref_squeeze %dma_wait3A_22 : memref<1x1x10000xi32, #tpu.memory_space<hbm>> -> memref<10000xi32, #tpu.memory_space<hbm>>
    tpu.wait_dma2 semaphore(%arg11 : memref<!tpu.dma_semaphore, #tpu.memory_space<semaphore_mem>>) src(%dma_wait3A_23 : memref<10000xi32, #tpu.memory_space<hbm>>) dst(%arg6 : memref<10000xi32, #tpu.memory_space<vmem>>)
    %dma_wait3A_24 = arith.constant 1 : i32
    %dma_wait3A_25 = arith.constant 0 : i32
    %dma_wait3A_26 = tpu.memref_slice %arg2[%dma_wait3A_24, %add3A, %dma_wait3A_25] : memref<2x32x10000xi32, #tpu.memory_space<hbm>> -> memref<1x1x10000xi32, #tpu.memory_space<hbm>>
    %dma_wait3A_27 = tpu.memref_squeeze %dma_wait3A_26 : memref<1x1x10000xi32, #tpu.memory_space<hbm>> -> memref<10000xi32, #tpu.memory_space<hbm>>
    %dma_wait3A_28 = arith.constant 0 : i32
    %dma_wait3A_29 = tpu.memref_slice %arg2[%dma_wait3A_24, %add3A, %dma_wait3A_28] : memref<2x32x10000xi32, #tpu.memory_space<hbm>> -> memref<1x1x10000xi32, #tpu.memory_space<hbm>>
    %dma_wait3A_30 = tpu.memref_squeeze %dma_wait3A_29 : memref<1x1x10000xi32, #tpu.memory_space<hbm>> -> memref<10000xi32, #tpu.memory_space<hbm>>
    tpu.wait_dma2 semaphore(%arg12 : memref<!tpu.dma_semaphore, #tpu.memory_space<semaphore_mem>>) src(%dma_wait3A_30 : memref<10000xi32, #tpu.memory_space<hbm>>) dst(%arg7 : memref<10000xi32, #tpu.memory_space<vmem>>)
    %eq3A = arith.constant 15 : i32
    %eq3A_31 = arith.cmpi eq, %arg1, %eq3A : i32
    %convert_element_type3A = arith.extui %eq3A_31 : i1 to i32
    %cond3A = arith.constant 0 : i32
    %cond3A_32 = arith.cmpi ne, %convert_element_type3A, %cond3A : i32
    scf.if %cond3A_32 {
      "tpu.region"() ({
        %run_scoped3A = tpu.sem_alloc : memref<!tpu.dma_semaphore, #tpu.memory_space<semaphore_mem>>
        %dma_start3A_57 = arith.constant 9984 : i32
        %dma_start3A_58 = arith.constant 0 : i32
        %dma_start3A_59 = tpu.memref_slice %arg10[%dma_start3A_57, %dma_start3A_58] : memref<10000x128xf32, #tpu.memory_space<vmem_shared>> -> memref<16x128xf32, #tpu.memory_space<vmem_shared>>
        %dma_start3A_60 = arith.constant 9984 : i32
        %dma_start3A_61 = arith.constant 0 : i32
        %dma_start3A_62 = tpu.memref_slice %arg4[%dma_start3A_60, %dma_start3A_61] : memref<10000x128xf32, #tpu.memory_space<hbm>> -> memref<16x128xf32, #tpu.memory_space<hbm>>
        tpu.enqueue_dma source(%dma_start3A_62 : memref<16x128xf32, #tpu.memory_space<hbm>>) target(%dma_start3A_59 : memref<16x128xf32, #tpu.memory_space<vmem_shared>>) target_semaphore(%run_scoped3A : memref<!tpu.dma_semaphore, #tpu.memory_space<semaphore_mem>>)
        %dma_wait3A_63 = arith.constant 9984 : i32
        %dma_wait3A_64 = arith.constant 0 : i32
        %dma_wait3A_65 = tpu.memref_slice %arg10[%dma_wait3A_63, %dma_wait3A_64] : memref<10000x128xf32, #tpu.memory_space<vmem_shared>> -> memref<16x128xf32, #tpu.memory_space<vmem_shared>>
        %dma_wait3A_66 = arith.constant 9984 : i32
        %dma_wait3A_67 = arith.constant 0 : i32
        %dma_wait3A_68 = tpu.memref_slice %arg4[%dma_wait3A_66, %dma_wait3A_67] : memref<10000x128xf32, #tpu.memory_space<hbm>> -> memref<16x128xf32, #tpu.memory_space<hbm>>
        tpu.wait_dma2 semaphore(%run_scoped3A : memref<!tpu.dma_semaphore, #tpu.memory_space<semaphore_mem>>) src(%dma_wait3A_68 : memref<16x128xf32, #tpu.memory_space<hbm>>) dst(%dma_wait3A_65 : memref<16x128xf32, #tpu.memory_space<vmem_shared>>)
        tpu.yield
      }) : () -> ()
    } else {
    }
    %barrier3A = arith.constant 0 : index
    tpu.barrier barrier_id(%barrier3A)
    %dma_start3A_33 = arith.constant 0 : i32
    %dma_start3A_34 = tpu.memref_slice %arg6[%dma_start3A_33] : memref<10000xi32, #tpu.memory_space<vmem>> -> memref<80xi32, #tpu.memory_space<vmem>>
    %dma_start3A_35 = arith.constant 0 : i32
    %dma_start3A_36 = arith.constant 0 : i32
    %dma_start3A_37 = tpu.memref_slice %arg3[%dma_start3A_35, %dma_start3A_36] : memref<10000x128xf32, #tpu.memory_space<hbm>> -> memref<10000x128xf32, #tpu.memory_space<hbm>>
    tpu.enqueue_indirect_dma source(%dma_start3A_37 : memref<10000x128xf32, #tpu.memory_space<hbm>>) target(%arg8 : memref<80x128xf32, #tpu.memory_space<vmem>>) offsets(%dma_start3A_34 : memref<80xi32, #tpu.memory_space<vmem>>) semaphore(%arg11 : memref<!tpu.dma_semaphore, #tpu.memory_space<semaphore_mem>>)
    %scan3A = arith.constant 0 : i32
    %scan3A_38 = arith.constant 62 : i32
    %scan3A_39 = arith.addi %scan3A, %scan3A_38 : i32
    %scan3A_40 = arith.constant 1 : i32
    scf.for %scan3A_57 = %scan3A to %scan3A_39 step %scan3A_40  : i32 {
      %mul3A_58 = arith.constant 1 : i32
      %mul3A_59 = arith.muli %scan3A_57, %mul3A_58 : i32
      %add3A_60 = arith.constant 0 : i32
      %add3A_61 = arith.addi %add3A_60, %mul3A_59 : i32
      %mul3A_62 = arith.constant 2 : i32
      %mul3A_63 = arith.muli %add3A_61, %mul3A_62 : i32
      %add3A_64 = arith.constant 1 : i32
      %add3A_65 = arith.addi %mul3A_63, %add3A_64 : i32
      %mul3A_66 = arith.constant 80 : i32
      %mul3A_67 = arith.muli %add3A_65, %mul3A_66 : i32
      %dma_start3A_68 = tpu.memref_slice %arg6[%mul3A_67] : memref<10000xi32, #tpu.memory_space<vmem>> -> memref<80xi32, #tpu.memory_space<vmem>>
      %dma_start3A_69 = arith.constant 0 : i32
      %dma_start3A_70 = arith.constant 0 : i32
      %dma_start3A_71 = tpu.memref_slice %arg3[%dma_start3A_69, %dma_start3A_70] : memref<10000x128xf32, #tpu.memory_space<hbm>> -> memref<10000x128xf32, #tpu.memory_space<hbm>>
      tpu.enqueue_indirect_dma source(%dma_start3A_71 : memref<10000x128xf32, #tpu.memory_space<hbm>>) target(%arg9 : memref<80x128xf32, #tpu.memory_space<vmem>>) offsets(%dma_start3A_68 : memref<80xi32, #tpu.memory_space<vmem>>) semaphore(%arg12 : memref<!tpu.dma_semaphore, #tpu.memory_space<semaphore_mem>>)
      %mul3A_72 = arith.constant 80 : i32
      %mul3A_73 = arith.muli %mul3A_63, %mul3A_72 : i32
      %dma_wait3A_74 = tpu.memref_slice %arg6[%mul3A_73] : memref<10000xi32, #tpu.memory_space<vmem>> -> memref<80xi32, #tpu.memory_space<vmem>>
      %dma_wait3A_75 = arith.constant 0 : i32
      %dma_wait3A_76 = arith.constant 0 : i32
      %dma_wait3A_77 = tpu.memref_slice %arg3[%dma_wait3A_75, %dma_wait3A_76] : memref<10000x128xf32, #tpu.memory_space<hbm>> -> memref<10000x128xf32, #tpu.memory_space<hbm>>
      tpu.wait_indirect_dma semaphore(%arg11 : memref<!tpu.dma_semaphore, #tpu.memory_space<semaphore_mem>>) src(%dma_wait3A_77 : memref<10000x128xf32, #tpu.memory_space<hbm>>) dst(%arg8 : memref<80x128xf32, #tpu.memory_space<vmem>>)
      %mul3A_78 = arith.constant 80 : i32
      %mul3A_79 = arith.muli %mul3A_63, %mul3A_78 : i32
      "tpu.region"() ({
        %run_scoped3A = tpu.sem_alloc : memref<!tpu.dma_semaphore, #tpu.memory_space<semaphore_mem>>
        %dma_start3A_100 = tpu.memref_slice %arg7[%mul3A_79] : memref<10000xi32, #tpu.memory_space<vmem>> -> memref<80xi32, #tpu.memory_space<vmem>>
        %dma_start3A_101 = arith.constant 0 : i32
        %dma_start3A_102 = arith.constant 0 : i32
        %dma_start3A_103 = tpu.memref_slice %arg10[%dma_start3A_101, %dma_start3A_102] : memref<10000x128xf32, #tpu.memory_space<vmem_shared>> -> memref<10000x128xf32, #tpu.memory_space<vmem_shared>>
        tpu.enqueue_indirect_dma source(%arg8 : memref<80x128xf32, #tpu.memory_space<vmem>>) target(%dma_start3A_103 : memref<10000x128xf32, #tpu.memory_space<vmem_shared>>) offsets(%dma_start3A_100 : memref<80xi32, #tpu.memory_space<vmem>>) semaphore(%run_scoped3A : memref<!tpu.dma_semaphore, #tpu.memory_space<semaphore_mem>>) {add = true}
        %dma_wait3A_104 = tpu.memref_slice %arg7[%mul3A_79] : memref<10000xi32, #tpu.memory_space<vmem>> -> memref<80xi32, #tpu.memory_space<vmem>>
        %dma_wait3A_105 = arith.constant 0 : i32
        %dma_wait3A_106 = arith.constant 0 : i32
        %dma_wait3A_107 = tpu.memref_slice %arg10[%dma_wait3A_105, %dma_wait3A_106] : memref<10000x128xf32, #tpu.memory_space<vmem_shared>> -> memref<10000x128xf32, #tpu.memory_space<vmem_shared>>
        tpu.wait_indirect_dma semaphore(%run_scoped3A : memref<!tpu.dma_semaphore, #tpu.memory_space<semaphore_mem>>) src(%arg8 : memref<80x128xf32, #tpu.memory_space<vmem>>) dst(%dma_wait3A_107 : memref<10000x128xf32, #tpu.memory_space<vmem_shared>>)
        tpu.yield
      }) : () -> ()
      %add3A_80 = arith.constant 2 : i32
      %add3A_81 = arith.addi %mul3A_63, %add3A_80 : i32
      %mul3A_82 = arith.constant 80 : i32
      %mul3A_83 = arith.muli %add3A_81, %mul3A_82 : i32
      %dma_start3A_84 = tpu.memref_slice %arg6[%mul3A_83] : memref<10000xi32, #tpu.memory_space<vmem>> -> memref<80xi32, #tpu.memory_space<vmem>>
      %dma_start3A_85 = arith.constant 0 : i32
      %dma_start3A_86 = arith.constant 0 : i32
      %dma_start3A_87 = tpu.memref_slice %arg3[%dma_start3A_85, %dma_start3A_86] : memref<10000x128xf32, #tpu.memory_space<hbm>> -> memref<10000x128xf32, #tpu.memory_space<hbm>>
      tpu.enqueue_indirect_dma source(%dma_start3A_87 : memref<10000x128xf32, #tpu.memory_space<hbm>>) target(%arg8 : memref<80x128xf32, #tpu.memory_space<vmem>>) offsets(%dma_start3A_84 : memref<80xi32, #tpu.memory_space<vmem>>) semaphore(%arg11 : memref<!tpu.dma_semaphore, #tpu.memory_space<semaphore_mem>>)
      %add3A_88 = arith.constant 1 : i32
      %add3A_89 = arith.addi %mul3A_63, %add3A_88 : i32
      %mul3A_90 = arith.constant 80 : i32
      %mul3A_91 = arith.muli %add3A_89, %mul3A_90 : i32
      %dma_wait3A_92 = tpu.memref_slice %arg6[%mul3A_91] : memref<10000xi32, #tpu.memory_space<vmem>> -> memref<80xi32, #tpu.memory_space<vmem>>
      %dma_wait3A_93 = arith.constant 0 : i32
      %dma_wait3A_94 = arith.constant 0 : i32
      %dma_wait3A_95 = tpu.memref_slice %arg3[%dma_wait3A_93, %dma_wait3A_94] : memref<10000x128xf32, #tpu.memory_space<hbm>> -> memref<10000x128xf32, #tpu.memory_space<hbm>>
      tpu.wait_indirect_dma semaphore(%arg12 : memref<!tpu.dma_semaphore, #tpu.memory_space<semaphore_mem>>) src(%dma_wait3A_95 : memref<10000x128xf32, #tpu.memory_space<hbm>>) dst(%arg9 : memref<80x128xf32, #tpu.memory_space<vmem>>)
      %add3A_96 = arith.constant 1 : i32
      %add3A_97 = arith.addi %mul3A_63, %add3A_96 : i32
      %mul3A_98 = arith.constant 80 : i32
      %mul3A_99 = arith.muli %add3A_97, %mul3A_98 : i32
      "tpu.region"() ({
        %run_scoped3A = tpu.sem_alloc : memref<!tpu.dma_semaphore, #tpu.memory_space<semaphore_mem>>
        %dma_start3A_100 = tpu.memref_slice %arg7[%mul3A_99] : memref<10000xi32, #tpu.memory_space<vmem>> -> memref<80xi32, #tpu.memory_space<vmem>>
        %dma_start3A_101 = arith.constant 0 : i32
        %dma_start3A_102 = arith.constant 0 : i32
        %dma_start3A_103 = tpu.memref_slice %arg10[%dma_start3A_101, %dma_start3A_102] : memref<10000x128xf32, #tpu.memory_space<vmem_shared>> -> memref<10000x128xf32, #tpu.memory_space<vmem_shared>>
        tpu.enqueue_indirect_dma source(%arg9 : memref<80x128xf32, #tpu.memory_space<vmem>>) target(%dma_start3A_103 : memref<10000x128xf32, #tpu.memory_space<vmem_shared>>) offsets(%dma_start3A_100 : memref<80xi32, #tpu.memory_space<vmem>>) semaphore(%run_scoped3A : memref<!tpu.dma_semaphore, #tpu.memory_space<semaphore_mem>>) {add = true}
        %dma_wait3A_104 = tpu.memref_slice %arg7[%mul3A_99] : memref<10000xi32, #tpu.memory_space<vmem>> -> memref<80xi32, #tpu.memory_space<vmem>>
        %dma_wait3A_105 = arith.constant 0 : i32
        %dma_wait3A_106 = arith.constant 0 : i32
        %dma_wait3A_107 = tpu.memref_slice %arg10[%dma_wait3A_105, %dma_wait3A_106] : memref<10000x128xf32, #tpu.memory_space<vmem_shared>> -> memref<10000x128xf32, #tpu.memory_space<vmem_shared>>
        tpu.wait_indirect_dma semaphore(%run_scoped3A : memref<!tpu.dma_semaphore, #tpu.memory_space<semaphore_mem>>) src(%arg9 : memref<80x128xf32, #tpu.memory_space<vmem>>) dst(%dma_wait3A_107 : memref<10000x128xf32, #tpu.memory_space<vmem_shared>>)
        tpu.yield
      }) : () -> ()
    }
    %scan3A_41 = arith.constant 62 : i32
    %dma_wait3A_42 = arith.constant 9920 : i32
    %dma_wait3A_43 = tpu.memref_slice %arg6[%dma_wait3A_42] : memref<10000xi32, #tpu.memory_space<vmem>> -> memref<80xi32, #tpu.memory_space<vmem>>
    %dma_wait3A_44 = arith.constant 0 : i32
    %dma_wait3A_45 = arith.constant 0 : i32
    %dma_wait3A_46 = tpu.memref_slice %arg3[%dma_wait3A_44, %dma_wait3A_45] : memref<10000x128xf32, #tpu.memory_space<hbm>> -> memref<10000x128xf32, #tpu.memory_space<hbm>>
    tpu.wait_indirect_dma semaphore(%arg11 : memref<!tpu.dma_semaphore, #tpu.memory_space<semaphore_mem>>) src(%dma_wait3A_46 : memref<10000x128xf32, #tpu.memory_space<hbm>>) dst(%arg8 : memref<80x128xf32, #tpu.memory_space<vmem>>)
    "tpu.region"() ({
      %run_scoped3A = tpu.sem_alloc : memref<!tpu.dma_semaphore, #tpu.memory_space<semaphore_mem>>
      %dma_start3A_57 = arith.constant 9920 : i32
      %dma_start3A_58 = tpu.memref_slice %arg7[%dma_start3A_57] : memref<10000xi32, #tpu.memory_space<vmem>> -> memref<80xi32, #tpu.memory_space<vmem>>
      %dma_start3A_59 = arith.constant 0 : i32
      %dma_start3A_60 = arith.constant 0 : i32
      %dma_start3A_61 = tpu.memref_slice %arg10[%dma_start3A_59, %dma_start3A_60] : memref<10000x128xf32, #tpu.memory_space<vmem_shared>> -> memref<10000x128xf32, #tpu.memory_space<vmem_shared>>
      tpu.enqueue_indirect_dma source(%arg8 : memref<80x128xf32, #tpu.memory_space<vmem>>) target(%dma_start3A_61 : memref<10000x128xf32, #tpu.memory_space<vmem_shared>>) offsets(%dma_start3A_58 : memref<80xi32, #tpu.memory_space<vmem>>) semaphore(%run_scoped3A : memref<!tpu.dma_semaphore, #tpu.memory_space<semaphore_mem>>) {add = true}
      %dma_wait3A_62 = arith.constant 9920 : i32
      %dma_wait3A_63 = tpu.memref_slice %arg7[%dma_wait3A_62] : memref<10000xi32, #tpu.memory_space<vmem>> -> memref<80xi32, #tpu.memory_space<vmem>>
      %dma_wait3A_64 = arith.constant 0 : i32
      %dma_wait3A_65 = arith.constant 0 : i32
      %dma_wait3A_66 = tpu.memref_slice %arg10[%dma_wait3A_64, %dma_wait3A_65] : memref<10000x128xf32, #tpu.memory_space<vmem_shared>> -> memref<10000x128xf32, #tpu.memory_space<vmem_shared>>
      tpu.wait_indirect_dma semaphore(%run_scoped3A : memref<!tpu.dma_semaphore, #tpu.memory_space<semaphore_mem>>) src(%arg8 : memref<80x128xf32, #tpu.memory_space<vmem>>) dst(%dma_wait3A_66 : memref<10000x128xf32, #tpu.memory_space<vmem_shared>>)
      tpu.yield
    }) : () -> ()
    %barrier3A_47 = arith.constant 0 : index
    tpu.barrier barrier_id(%barrier3A_47)
    %mul3A_48 = arith.constant 624 : i32
    %mul3A_49 = arith.muli %arg1, %mul3A_48 : i32
    %mul3A_50 = arith.constant 624 : i32
    %mul3A_51 = arith.muli %arg1, %mul3A_50 : i32
    "tpu.region"() ({
      %run_scoped3A = tpu.sem_alloc : memref<!tpu.dma_semaphore, #tpu.memory_space<semaphore_mem>>
      %dma_start3A_57 = arith.constant 0 : i32
      %dma_start3A_58 = tpu.memref_slice %arg5[%arg0, %mul3A_51, %dma_start3A_57] : memref<2x10000x128xf32, #tpu.memory_space<hbm>> -> memref<1x624x128xf32, #tpu.memory_space<hbm>>
      %dma_start3A_59 = tpu.memref_squeeze %dma_start3A_58 : memref<1x624x128xf32, #tpu.memory_space<hbm>> -> memref<624x128xf32, #tpu.memory_space<hbm>>
      %dma_start3A_60 = arith.constant 0 : i32
      %dma_start3A_61 = tpu.memref_slice %arg10[%mul3A_49, %dma_start3A_60] : memref<10000x128xf32, #tpu.memory_space<vmem_shared>> -> memref<624x128xf32, #tpu.memory_space<vmem_shared>>
      tpu.enqueue_dma source(%dma_start3A_61 : memref<624x128xf32, #tpu.memory_space<vmem_shared>>) target(%dma_start3A_59 : memref<624x128xf32, #tpu.memory_space<hbm>>) target_semaphore(%run_scoped3A : memref<!tpu.dma_semaphore, #tpu.memory_space<semaphore_mem>>)
      %dma_wait3A_62 = arith.constant 0 : i32
      %dma_wait3A_63 = tpu.memref_slice %arg5[%arg0, %mul3A_51, %dma_wait3A_62] : memref<2x10000x128xf32, #tpu.memory_space<hbm>> -> memref<1x624x128xf32, #tpu.memory_space<hbm>>
      %dma_wait3A_64 = tpu.memref_squeeze %dma_wait3A_63 : memref<1x624x128xf32, #tpu.memory_space<hbm>> -> memref<624x128xf32, #tpu.memory_space<hbm>>
      %dma_wait3A_65 = arith.constant 0 : i32
      %dma_wait3A_66 = tpu.memref_slice %arg10[%mul3A_49, %dma_wait3A_65] : memref<10000x128xf32, #tpu.memory_space<vmem_shared>> -> memref<624x128xf32, #tpu.memory_space<vmem_shared>>
      tpu.wait_dma2 semaphore(%run_scoped3A : memref<!tpu.dma_semaphore, #tpu.memory_space<semaphore_mem>>) src(%dma_wait3A_66 : memref<624x128xf32, #tpu.memory_space<vmem_shared>>) dst(%dma_wait3A_64 : memref<624x128xf32, #tpu.memory_space<hbm>>)
      tpu.yield
    }) : () -> ()
    %eq3A_52 = arith.constant 15 : i32
    %eq3A_53 = arith.cmpi eq, %arg1, %eq3A_52 : i32
    %convert_element_type3A_54 = arith.extui %eq3A_53 : i1 to i32
    %cond3A_55 = arith.constant 0 : i32
    %cond3A_56 = arith.cmpi ne, %convert_element_type3A_54, %cond3A_55 : i32
    scf.if %cond3A_56 {
      "tpu.region"() ({
        %run_scoped3A = tpu.sem_alloc : memref<!tpu.dma_semaphore, #tpu.memory_space<semaphore_mem>>
        %dma_start3A_57 = arith.constant 9984 : i32
        %dma_start3A_58 = arith.constant 0 : i32
        %dma_start3A_59 = tpu.memref_slice %arg5[%arg0, %dma_start3A_57, %dma_start3A_58] : memref<2x10000x128xf32, #tpu.memory_space<hbm>> -> memref<1x16x128xf32, #tpu.memory_space<hbm>>
        %dma_start3A_60 = tpu.memref_squeeze %dma_start3A_59 : memref<1x16x128xf32, #tpu.memory_space<hbm>> -> memref<16x128xf32, #tpu.memory_space<hbm>>
        %dma_start3A_61 = arith.constant 9984 : i32
        %dma_start3A_62 = arith.constant 0 : i32
        %dma_start3A_63 = tpu.memref_slice %arg10[%dma_start3A_61, %dma_start3A_62] : memref<10000x128xf32, #tpu.memory_space<vmem_shared>> -> memref<16x128xf32, #tpu.memory_space<vmem_shared>>
        tpu.enqueue_dma source(%dma_start3A_63 : memref<16x128xf32, #tpu.memory_space<vmem_shared>>) target(%dma_start3A_60 : memref<16x128xf32, #tpu.memory_space<hbm>>) target_semaphore(%run_scoped3A : memref<!tpu.dma_semaphore, #tpu.memory_space<semaphore_mem>>)
        %dma_wait3A_64 = arith.constant 9984 : i32
        %dma_wait3A_65 = arith.constant 0 : i32
        %dma_wait3A_66 = tpu.memref_slice %arg5[%arg0, %dma_wait3A_64, %dma_wait3A_65] : memref<2x10000x128xf32, #tpu.memory_space<hbm>> -> memref<1x16x128xf32, #tpu.memory_space<hbm>>
        %dma_wait3A_67 = tpu.memref_squeeze %dma_wait3A_66 : memref<1x16x128xf32, #tpu.memory_space<hbm>> -> memref<16x128xf32, #tpu.memory_space<hbm>>
        %dma_wait3A_68 = arith.constant 9984 : i32
        %dma_wait3A_69 = arith.constant 0 : i32
        %dma_wait3A_70 = tpu.memref_slice %arg10[%dma_wait3A_68, %dma_wait3A_69] : memref<10000x128xf32, #tpu.memory_space<vmem_shared>> -> memref<16x128xf32, #tpu.memory_space<vmem_shared>>
        tpu.wait_dma2 semaphore(%run_scoped3A : memref<!tpu.dma_semaphore, #tpu.memory_space<semaphore_mem>>) src(%dma_wait3A_70 : memref<16x128xf32, #tpu.memory_space<vmem_shared>>) dst(%dma_wait3A_67 : memref<16x128xf32, #tpu.memory_space<hbm>>)
        tpu.yield
      }) : () -> ()
    } else {
    }
    return
  }
}

#map = affine_map<(d0, d1) -> (0, 0, 0)>
#map1 = affine_map<(d0, d1) -> (0, 0)>
module attributes {stable_mosaic.version = 14 : i64} {
  func.func @seg(%arg0: i32, %arg1: i32, %arg2: memref<2x32x10000xi32, #tpu.memory_space<hbm>>, %arg3: memref<10000x128xf32, #tpu.memory_space<hbm>>, %arg4: memref<10000x128xf32, #tpu.memory_space<hbm>>, %arg5: memref<2x10000x128xf32, #tpu.memory_space<hbm>>, %arg6: memref<10000xi32, #tpu.memory_space<vmem>>, %arg7: memref<10000xi32, #tpu.memory_space<vmem>>, %arg8: memref<80x128xf32, #tpu.memory_space<vmem>>, %arg9: memref<80x128xf32, #tpu.memory_space<vmem>>, %arg10: memref<10000x128xf32, #tpu.memory_space<vmem_shared>>, %arg11: memref<!tpu.dma_semaphore, #tpu.memory_space<semaphore_mem>>, %arg12: memref<!tpu.dma_semaphore, #tpu.memory_space<semaphore_mem>>) attributes {dimension_semantics = [#tpu.dimension_semantics<core_parallel>, #tpu.dimension_semantics<subcore_parallel>], iteration_bounds = array<i64: 2, 16>, scalar_prefetch = 0 : i64, scratch_operands = 7 : i64, tpu.core_type = #tpu.core_type<sc_vector_subcore>, window_params = [{transform_indices = #map}, {transform_indices = #map1}, {transform_indices = #map1}, {transform_indices = #map}]} {
    %mul3A = arith.constant 2 : i32
    %mul3A_0 = arith.muli %arg1, %mul3A : i32
    %add3A = arith.addi %mul3A_0, %arg0 : i32
    %dma_start3A = arith.constant 0 : i32
    %dma_start3A_1 = arith.constant 0 : i32
    %dma_start3A_2 = tpu.memref_slice %arg2[%dma_start3A, %add3A, %dma_start3A_1] : memref<2x32x10000xi32, #tpu.memory_space<hbm>> -> memref<1x1x10000xi32, #tpu.memory_space<hbm>>
    %dma_start3A_3 = tpu.memref_squeeze %dma_start3A_2 : memref<1x1x10000xi32, #tpu.memory_space<hbm>> -> memref<10000xi32, #tpu.memory_space<hbm>>
    %dma_start3A_4 = arith.constant 0 : i32
    %dma_start3A_5 = tpu.memref_slice %arg2[%dma_start3A, %add3A, %dma_start3A_4] : memref<2x32x10000xi32, #tpu.memory_space<hbm>> -> memref<1x1x10000xi32, #tpu.memory_space<hbm>>
    %dma_start3A_6 = tpu.memref_squeeze %dma_start3A_5 : memref<1x1x10000xi32, #tpu.memory_space<hbm>> -> memref<10000xi32, #tpu.memory_space<hbm>>
    tpu.enqueue_dma source(%dma_start3A_6 : memref<10000xi32, #tpu.memory_space<hbm>>) target(%arg6 : memref<10000xi32, #tpu.memory_space<vmem>>) target_semaphore(%arg11 : memref<!tpu.dma_semaphore, #tpu.memory_space<semaphore_mem>>)
    %dma_start3A_7 = arith.constant 1 : i32
    %dma_start3A_8 = arith.constant 0 : i32
    %dma_start3A_9 = tpu.memref_slice %arg2[%dma_start3A_7, %add3A, %dma_start3A_8] : memref<2x32x10000xi32, #tpu.memory_space<hbm>> -> memref<1x1x10000xi32, #tpu.memory_space<hbm>>
    %dma_start3A_10 = tpu.memref_squeeze %dma_start3A_9 : memref<1x1x10000xi32, #tpu.memory_space<hbm>> -> memref<10000xi32, #tpu.memory_space<hbm>>
    %dma_start3A_11 = arith.constant 0 : i32
    %dma_start3A_12 = tpu.memref_slice %arg2[%dma_start3A_7, %add3A, %dma_start3A_11] : memref<2x32x10000xi32, #tpu.memory_space<hbm>> -> memref<1x1x10000xi32, #tpu.memory_space<hbm>>
    %dma_start3A_13 = tpu.memref_squeeze %dma_start3A_12 : memref<1x1x10000xi32, #tpu.memory_space<hbm>> -> memref<10000xi32, #tpu.memory_space<hbm>>
    tpu.enqueue_dma source(%dma_start3A_13 : memref<10000xi32, #tpu.memory_space<hbm>>) target(%arg7 : memref<10000xi32, #tpu.memory_space<vmem>>) target_semaphore(%arg12 : memref<!tpu.dma_semaphore, #tpu.memory_space<semaphore_mem>>)
    %mul3A_14 = arith.constant 624 : i32
    %mul3A_15 = arith.muli %arg1, %mul3A_14 : i32
    %mul3A_16 = arith.constant 624 : i32
    %mul3A_17 = arith.muli %arg1, %mul3A_16 : i32
    "tpu.region"() ({
      %run_scoped3A = tpu.sem_alloc : memref<!tpu.dma_semaphore, #tpu.memory_space<semaphore_mem>>
      %dma_start3A_57 = arith.constant 0 : i32
      %dma_start3A_58 = tpu.memref_slice %arg10[%mul3A_17, %dma_start3A_57] : memref<10000x128xf32, #tpu.memory_space<vmem_shared>> -> memref<624x128xf32, #tpu.memory_space<vmem_shared>>
      %dma_start3A_59 = arith.constant 0 : i32
      %dma_start3A_60 = tpu.memref_slice %arg4[%mul3A_15, %dma_start3A_59] : memref<10000x128xf32, #tpu.memory_space<hbm>> -> memref<624x128xf32, #tpu.memory_space<hbm>>
      tpu.enqueue_dma source(%dma_start3A_60 : memref<624x128xf32, #tpu.memory_space<hbm>>) target(%dma_start3A_58 : memref<624x128xf32, #tpu.memory_space<vmem_shared>>) target_semaphore(%run_scoped3A : memref<!tpu.dma_semaphore, #tpu.memory_space<semaphore_mem>>)
      %dma_wait3A_61 = arith.constant 0 : i32
      %dma_wait3A_62 = tpu.memref_slice %arg10[%mul3A_17, %dma_wait3A_61] : memref<10000x128xf32, #tpu.memory_space<vmem_shared>> -> memref<624x128xf32, #tpu.memory_space<vmem_shared>>
      %dma_wait3A_63 = arith.constant 0 : i32
      %dma_wait3A_64 = tpu.memref_slice %arg4[%mul3A_15, %dma_wait3A_63] : memref<10000x128xf32, #tpu.memory_space<hbm>> -> memref<624x128xf32, #tpu.memory_space<hbm>>
      tpu.wait_dma2 semaphore(%run_scoped3A : memref<!tpu.dma_semaphore, #tpu.memory_space<semaphore_mem>>) src(%dma_wait3A_64 : memref<624x128xf32, #tpu.memory_space<hbm>>) dst(%dma_wait3A_62 : memref<624x128xf32, #tpu.memory_space<vmem_shared>>)
      tpu.yield
    }) : () -> ()
    %dma_wait3A = arith.constant 0 : i32
    %dma_wait3A_18 = arith.constant 0 : i32
    %dma_wait3A_19 = tpu.memref_slice %arg2[%dma_wait3A, %add3A, %dma_wait3A_18] : memref<2x32x10000xi32, #tpu.memory_space<hbm>> -> memref<1x1x10000xi32, #tpu.memory_space<hbm>>
    %dma_wait3A_20 = tpu.memref_squeeze %dma_wait3A_19 : memref<1x1x10000xi32, #tpu.memory_space<hbm>> -> memref<10000xi32, #tpu.memory_space<hbm>>
    %dma_wait3A_21 = arith.constant 0 : i32
    %dma_wait3A_22 = tpu.memref_slice %arg2[%dma_wait3A, %add3A, %dma_wait3A_21] : memref<2x32x10000xi32, #tpu.memory_space<hbm>> -> memref<1x1x10000xi32, #tpu.memory_space<hbm>>
    %dma_wait3A_23 = tpu.memref_squeeze %dma_wait3A_22 : memref<1x1x10000xi32, #tpu.memory_space<hbm>> -> memref<10000xi32, #tpu.memory_space<hbm>>
    tpu.wait_dma2 semaphore(%arg11 : memref<!tpu.dma_semaphore, #tpu.memory_space<semaphore_mem>>) src(%dma_wait3A_23 : memref<10000xi32, #tpu.memory_space<hbm>>) dst(%arg6 : memref<10000xi32, #tpu.memory_space<vmem>>)
    %dma_wait3A_24 = arith.constant 1 : i32
    %dma_wait3A_25 = arith.constant 0 : i32
    %dma_wait3A_26 = tpu.memref_slice %arg2[%dma_wait3A_24, %add3A, %dma_wait3A_25] : memref<2x32x10000xi32, #tpu.memory_space<hbm>> -> memref<1x1x10000xi32, #tpu.memory_space<hbm>>
    %dma_wait3A_27 = tpu.memref_squeeze %dma_wait3A_26 : memref<1x1x10000xi32, #tpu.memory_space<hbm>> -> memref<10000xi32, #tpu.memory_space<hbm>>
    %dma_wait3A_28 = arith.constant 0 : i32
    %dma_wait3A_29 = tpu.memref_slice %arg2[%dma_wait3A_24, %add3A, %dma_wait3A_28] : memref<2x32x10000xi32, #tpu.memory_space<hbm>> -> memref<1x1x10000xi32, #tpu.memory_space<hbm>>
    %dma_wait3A_30 = tpu.memref_squeeze %dma_wait3A_29 : memref<1x1x10000xi32, #tpu.memory_space<hbm>> -> memref<10000xi32, #tpu.memory_space<hbm>>
    tpu.wait_dma2 semaphore(%arg12 : memref<!tpu.dma_semaphore, #tpu.memory_space<semaphore_mem>>) src(%dma_wait3A_30 : memref<10000xi32, #tpu.memory_space<hbm>>) dst(%arg7 : memref<10000xi32, #tpu.memory_space<vmem>>)
    %eq3A = arith.constant 15 : i32
    %eq3A_31 = arith.cmpi eq, %arg1, %eq3A : i32
    %convert_element_type3A = arith.extui %eq3A_31 : i1 to i32
    %cond3A = arith.constant 0 : i32
    %cond3A_32 = arith.cmpi ne, %convert_element_type3A, %cond3A : i32
    scf.if %cond3A_32 {
      "tpu.region"() ({
        %run_scoped3A = tpu.sem_alloc : memref<!tpu.dma_semaphore, #tpu.memory_space<semaphore_mem>>
        %dma_start3A_57 = arith.constant 9984 : i32
        %dma_start3A_58 = arith.constant 0 : i32
        %dma_start3A_59 = tpu.memref_slice %arg10[%dma_start3A_57, %dma_start3A_58] : memref<10000x128xf32, #tpu.memory_space<vmem_shared>> -> memref<16x128xf32, #tpu.memory_space<vmem_shared>>
        %dma_start3A_60 = arith.constant 9984 : i32
        %dma_start3A_61 = arith.constant 0 : i32
        %dma_start3A_62 = tpu.memref_slice %arg4[%dma_start3A_60, %dma_start3A_61] : memref<10000x128xf32, #tpu.memory_space<hbm>> -> memref<16x128xf32, #tpu.memory_space<hbm>>
        tpu.enqueue_dma source(%dma_start3A_62 : memref<16x128xf32, #tpu.memory_space<hbm>>) target(%dma_start3A_59 : memref<16x128xf32, #tpu.memory_space<vmem_shared>>) target_semaphore(%run_scoped3A : memref<!tpu.dma_semaphore, #tpu.memory_space<semaphore_mem>>)
        %dma_wait3A_63 = arith.constant 9984 : i32
        %dma_wait3A_64 = arith.constant 0 : i32
        %dma_wait3A_65 = tpu.memref_slice %arg10[%dma_wait3A_63, %dma_wait3A_64] : memref<10000x128xf32, #tpu.memory_space<vmem_shared>> -> memref<16x128xf32, #tpu.memory_space<vmem_shared>>
        %dma_wait3A_66 = arith.constant 9984 : i32
        %dma_wait3A_67 = arith.constant 0 : i32
        %dma_wait3A_68 = tpu.memref_slice %arg4[%dma_wait3A_66, %dma_wait3A_67] : memref<10000x128xf32, #tpu.memory_space<hbm>> -> memref<16x128xf32, #tpu.memory_space<hbm>>
        tpu.wait_dma2 semaphore(%run_scoped3A : memref<!tpu.dma_semaphore, #tpu.memory_space<semaphore_mem>>) src(%dma_wait3A_68 : memref<16x128xf32, #tpu.memory_space<hbm>>) dst(%dma_wait3A_65 : memref<16x128xf32, #tpu.memory_space<vmem_shared>>)
        tpu.yield
      }) : () -> ()
    } else {
    }
    %barrier3A = arith.constant 0 : index
    tpu.barrier barrier_id(%barrier3A)
    %dma_start3A_33 = arith.constant 0 : i32
    %dma_start3A_34 = tpu.memref_slice %arg6[%dma_start3A_33] : memref<10000xi32, #tpu.memory_space<vmem>> -> memref<80xi32, #tpu.memory_space<vmem>>
    %dma_start3A_35 = arith.constant 0 : i32
    %dma_start3A_36 = arith.constant 0 : i32
    %dma_start3A_37 = tpu.memref_slice %arg3[%dma_start3A_35, %dma_start3A_36] : memref<10000x128xf32, #tpu.memory_space<hbm>> -> memref<10000x128xf32, #tpu.memory_space<hbm>>
    tpu.enqueue_indirect_dma source(%dma_start3A_37 : memref<10000x128xf32, #tpu.memory_space<hbm>>) target(%arg8 : memref<80x128xf32, #tpu.memory_space<vmem>>) offsets(%dma_start3A_34 : memref<80xi32, #tpu.memory_space<vmem>>) semaphore(%arg11 : memref<!tpu.dma_semaphore, #tpu.memory_space<semaphore_mem>>)
    %scan3A = arith.constant 0 : i32
    %scan3A_38 = arith.constant 62 : i32
    %scan3A_39 = arith.addi %scan3A, %scan3A_38 : i32
    %scan3A_40 = arith.constant 1 : i32
    scf.for %scan3A_57 = %scan3A to %scan3A_39 step %scan3A_40  : i32 {
      %mul3A_58 = arith.constant 1 : i32
      %mul3A_59 = arith.muli %scan3A_57, %mul3A_58 : i32
      %add3A_60 = arith.constant 0 : i32
      %add3A_61 = arith.addi %add3A_60, %mul3A_59 : i32
      %mul3A_62 = arith.constant 2 : i32
      %mul3A_63 = arith.muli %add3A_61, %mul3A_62 : i32
      %add3A_64 = arith.constant 1 : i32
      %add3A_65 = arith.addi %mul3A_63, %add3A_64 : i32
      %mul3A_66 = arith.constant 80 : i32
      %mul3A_67 = arith.muli %add3A_65, %mul3A_66 : i32
      %dma_start3A_68 = tpu.memref_slice %arg6[%mul3A_67] : memref<10000xi32, #tpu.memory_space<vmem>> -> memref<80xi32, #tpu.memory_space<vmem>>
      %dma_start3A_69 = arith.constant 0 : i32
      %dma_start3A_70 = arith.constant 0 : i32
      %dma_start3A_71 = tpu.memref_slice %arg3[%dma_start3A_69, %dma_start3A_70] : memref<10000x128xf32, #tpu.memory_space<hbm>> -> memref<10000x128xf32, #tpu.memory_space<hbm>>
      tpu.enqueue_indirect_dma source(%dma_start3A_71 : memref<10000x128xf32, #tpu.memory_space<hbm>>) target(%arg9 : memref<80x128xf32, #tpu.memory_space<vmem>>) offsets(%dma_start3A_68 : memref<80xi32, #tpu.memory_space<vmem>>) semaphore(%arg12 : memref<!tpu.dma_semaphore, #tpu.memory_space<semaphore_mem>>)
      %mul3A_72 = arith.constant 80 : i32
      %mul3A_73 = arith.muli %mul3A_63, %mul3A_72 : i32
      %dma_wait3A_74 = tpu.memref_slice %arg6[%mul3A_73] : memref<10000xi32, #tpu.memory_space<vmem>> -> memref<80xi32, #tpu.memory_space<vmem>>
      %dma_wait3A_75 = arith.constant 0 : i32
      %dma_wait3A_76 = arith.constant 0 : i32
      %dma_wait3A_77 = tpu.memref_slice %arg3[%dma_wait3A_75, %dma_wait3A_76] : memref<10000x128xf32, #tpu.memory_space<hbm>> -> memref<10000x128xf32, #tpu.memory_space<hbm>>
      tpu.wait_indirect_dma semaphore(%arg11 : memref<!tpu.dma_semaphore, #tpu.memory_space<semaphore_mem>>) src(%dma_wait3A_77 : memref<10000x128xf32, #tpu.memory_space<hbm>>) dst(%arg8 : memref<80x128xf32, #tpu.memory_space<vmem>>)
      %mul3A_78 = arith.constant 80 : i32
      %mul3A_79 = arith.muli %mul3A_63, %mul3A_78 : i32
      "tpu.region"() ({
        %run_scoped3A = tpu.sem_alloc : memref<!tpu.dma_semaphore, #tpu.memory_space<semaphore_mem>>
        %dma_start3A_100 = tpu.memref_slice %arg7[%mul3A_79] : memref<10000xi32, #tpu.memory_space<vmem>> -> memref<80xi32, #tpu.memory_space<vmem>>
        %dma_start3A_101 = arith.constant 0 : i32
        %dma_start3A_102 = arith.constant 0 : i32
        %dma_start3A_103 = tpu.memref_slice %arg10[%dma_start3A_101, %dma_start3A_102] : memref<10000x128xf32, #tpu.memory_space<vmem_shared>> -> memref<10000x128xf32, #tpu.memory_space<vmem_shared>>
        tpu.enqueue_indirect_dma source(%arg8 : memref<80x128xf32, #tpu.memory_space<vmem>>) target(%dma_start3A_103 : memref<10000x128xf32, #tpu.memory_space<vmem_shared>>) offsets(%dma_start3A_100 : memref<80xi32, #tpu.memory_space<vmem>>) semaphore(%run_scoped3A : memref<!tpu.dma_semaphore, #tpu.memory_space<semaphore_mem>>) {add = true}
        %dma_wait3A_104 = tpu.memref_slice %arg7[%mul3A_79] : memref<10000xi32, #tpu.memory_space<vmem>> -> memref<80xi32, #tpu.memory_space<vmem>>
        %dma_wait3A_105 = arith.constant 0 : i32
        %dma_wait3A_106 = arith.constant 0 : i32
        %dma_wait3A_107 = tpu.memref_slice %arg10[%dma_wait3A_105, %dma_wait3A_106] : memref<10000x128xf32, #tpu.memory_space<vmem_shared>> -> memref<10000x128xf32, #tpu.memory_space<vmem_shared>>
        tpu.wait_indirect_dma semaphore(%run_scoped3A : memref<!tpu.dma_semaphore, #tpu.memory_space<semaphore_mem>>) src(%arg8 : memref<80x128xf32, #tpu.memory_space<vmem>>) dst(%dma_wait3A_107 : memref<10000x128xf32, #tpu.memory_space<vmem_shared>>)
        tpu.yield
      }) : () -> ()
      %add3A_80 = arith.constant 2 : i32
      %add3A_81 = arith.addi %mul3A_63, %add3A_80 : i32
      %mul3A_82 = arith.constant 80 : i32
      %mul3A_83 = arith.muli %add3A_81, %mul3A_82 : i32
      %dma_start3A_84 = tpu.memref_slice %arg6[%mul3A_83] : memref<10000xi32, #tpu.memory_space<vmem>> -> memref<80xi32, #tpu.memory_space<vmem>>
      %dma_start3A_85 = arith.constant 0 : i32
      %dma_start3A_86 = arith.constant 0 : i32
      %dma_start3A_87 = tpu.memref_slice %arg3[%dma_start3A_85, %dma_start3A_86] : memref<10000x128xf32, #tpu.memory_space<hbm>> -> memref<10000x128xf32, #tpu.memory_space<hbm>>
      tpu.enqueue_indirect_dma source(%dma_start3A_87 : memref<10000x128xf32, #tpu.memory_space<hbm>>) target(%arg8 : memref<80x128xf32, #tpu.memory_space<vmem>>) offsets(%dma_start3A_84 : memref<80xi32, #tpu.memory_space<vmem>>) semaphore(%arg11 : memref<!tpu.dma_semaphore, #tpu.memory_space<semaphore_mem>>)
      %add3A_88 = arith.constant 1 : i32
      %add3A_89 = arith.addi %mul3A_63, %add3A_88 : i32
      %mul3A_90 = arith.constant 80 : i32
      %mul3A_91 = arith.muli %add3A_89, %mul3A_90 : i32
      %dma_wait3A_92 = tpu.memref_slice %arg6[%mul3A_91] : memref<10000xi32, #tpu.memory_space<vmem>> -> memref<80xi32, #tpu.memory_space<vmem>>
      %dma_wait3A_93 = arith.constant 0 : i32
      %dma_wait3A_94 = arith.constant 0 : i32
      %dma_wait3A_95 = tpu.memref_slice %arg3[%dma_wait3A_93, %dma_wait3A_94] : memref<10000x128xf32, #tpu.memory_space<hbm>> -> memref<10000x128xf32, #tpu.memory_space<hbm>>
      tpu.wait_indirect_dma semaphore(%arg12 : memref<!tpu.dma_semaphore, #tpu.memory_space<semaphore_mem>>) src(%dma_wait3A_95 : memref<10000x128xf32, #tpu.memory_space<hbm>>) dst(%arg9 : memref<80x128xf32, #tpu.memory_space<vmem>>)
      %add3A_96 = arith.constant 1 : i32
      %add3A_97 = arith.addi %mul3A_63, %add3A_96 : i32
      %mul3A_98 = arith.constant 80 : i32
      %mul3A_99 = arith.muli %add3A_97, %mul3A_98 : i32
      "tpu.region"() ({
        %run_scoped3A = tpu.sem_alloc : memref<!tpu.dma_semaphore, #tpu.memory_space<semaphore_mem>>
        %dma_start3A_100 = tpu.memref_slice %arg7[%mul3A_99] : memref<10000xi32, #tpu.memory_space<vmem>> -> memref<80xi32, #tpu.memory_space<vmem>>
        %dma_start3A_101 = arith.constant 0 : i32
        %dma_start3A_102 = arith.constant 0 : i32
        %dma_start3A_103 = tpu.memref_slice %arg10[%dma_start3A_101, %dma_start3A_102] : memref<10000x128xf32, #tpu.memory_space<vmem_shared>> -> memref<10000x128xf32, #tpu.memory_space<vmem_shared>>
        tpu.enqueue_indirect_dma source(%arg9 : memref<80x128xf32, #tpu.memory_space<vmem>>) target(%dma_start3A_103 : memref<10000x128xf32, #tpu.memory_space<vmem_shared>>) offsets(%dma_start3A_100 : memref<80xi32, #tpu.memory_space<vmem>>) semaphore(%run_scoped3A : memref<!tpu.dma_semaphore, #tpu.memory_space<semaphore_mem>>) {add = true}
        %dma_wait3A_104 = tpu.memref_slice %arg7[%mul3A_99] : memref<10000xi32, #tpu.memory_space<vmem>> -> memref<80xi32, #tpu.memory_space<vmem>>
        %dma_wait3A_105 = arith.constant 0 : i32
        %dma_wait3A_106 = arith.constant 0 : i32
        %dma_wait3A_107 = tpu.memref_slice %arg10[%dma_wait3A_105, %dma_wait3A_106] : memref<10000x128xf32, #tpu.memory_space<vmem_shared>> -> memref<10000x128xf32, #tpu.memory_space<vmem_shared>>
        tpu.wait_indirect_dma semaphore(%run_scoped3A : memref<!tpu.dma_semaphore, #tpu.memory_space<semaphore_mem>>) src(%arg9 : memref<80x128xf32, #tpu.memory_space<vmem>>) dst(%dma_wait3A_107 : memref<10000x128xf32, #tpu.memory_space<vmem_shared>>)
        tpu.yield
      }) : () -> ()
    }
    %scan3A_41 = arith.constant 62 : i32
    %dma_wait3A_42 = arith.constant 9920 : i32
    %dma_wait3A_43 = tpu.memref_slice %arg6[%dma_wait3A_42] : memref<10000xi32, #tpu.memory_space<vmem>> -> memref<80xi32, #tpu.memory_space<vmem>>
    %dma_wait3A_44 = arith.constant 0 : i32
    %dma_wait3A_45 = arith.constant 0 : i32
    %dma_wait3A_46 = tpu.memref_slice %arg3[%dma_wait3A_44, %dma_wait3A_45] : memref<10000x128xf32, #tpu.memory_space<hbm>> -> memref<10000x128xf32, #tpu.memory_space<hbm>>
    tpu.wait_indirect_dma semaphore(%arg11 : memref<!tpu.dma_semaphore, #tpu.memory_space<semaphore_mem>>) src(%dma_wait3A_46 : memref<10000x128xf32, #tpu.memory_space<hbm>>) dst(%arg8 : memref<80x128xf32, #tpu.memory_space<vmem>>)
    "tpu.region"() ({
      %run_scoped3A = tpu.sem_alloc : memref<!tpu.dma_semaphore, #tpu.memory_space<semaphore_mem>>
      %dma_start3A_57 = arith.constant 9920 : i32
      %dma_start3A_58 = tpu.memref_slice %arg7[%dma_start3A_57] : memref<10000xi32, #tpu.memory_space<vmem>> -> memref<80xi32, #tpu.memory_space<vmem>>
      %dma_start3A_59 = arith.constant 0 : i32
      %dma_start3A_60 = arith.constant 0 : i32
      %dma_start3A_61 = tpu.memref_slice %arg10[%dma_start3A_59, %dma_start3A_60] : memref<10000x128xf32, #tpu.memory_space<vmem_shared>> -> memref<10000x128xf32, #tpu.memory_space<vmem_shared>>
      tpu.enqueue_indirect_dma source(%arg8 : memref<80x128xf32, #tpu.memory_space<vmem>>) target(%dma_start3A_61 : memref<10000x128xf32, #tpu.memory_space<vmem_shared>>) offsets(%dma_start3A_58 : memref<80xi32, #tpu.memory_space<vmem>>) semaphore(%run_scoped3A : memref<!tpu.dma_semaphore, #tpu.memory_space<semaphore_mem>>) {add = true}
      %dma_wait3A_62 = arith.constant 9920 : i32
      %dma_wait3A_63 = tpu.memref_slice %arg7[%dma_wait3A_62] : memref<10000xi32, #tpu.memory_space<vmem>> -> memref<80xi32, #tpu.memory_space<vmem>>
      %dma_wait3A_64 = arith.constant 0 : i32
      %dma_wait3A_65 = arith.constant 0 : i32
      %dma_wait3A_66 = tpu.memref_slice %arg10[%dma_wait3A_64, %dma_wait3A_65] : memref<10000x128xf32, #tpu.memory_space<vmem_shared>> -> memref<10000x128xf32, #tpu.memory_space<vmem_shared>>
      tpu.wait_indirect_dma semaphore(%run_scoped3A : memref<!tpu.dma_semaphore, #tpu.memory_space<semaphore_mem>>) src(%arg8 : memref<80x128xf32, #tpu.memory_space<vmem>>) dst(%dma_wait3A_66 : memref<10000x128xf32, #tpu.memory_space<vmem_shared>>)
      tpu.yield
    }) : () -> ()
    %barrier3A_47 = arith.constant 0 : index
    tpu.barrier barrier_id(%barrier3A_47)
    %mul3A_48 = arith.constant 624 : i32
    %mul3A_49 = arith.muli %arg1, %mul3A_48 : i32
    %mul3A_50 = arith.constant 624 : i32
    %mul3A_51 = arith.muli %arg1, %mul3A_50 : i32
    "tpu.region"() ({
      %run_scoped3A = tpu.sem_alloc : memref<!tpu.dma_semaphore, #tpu.memory_space<semaphore_mem>>
      %dma_start3A_57 = arith.constant 0 : i32
      %dma_start3A_58 = tpu.memref_slice %arg5[%arg0, %mul3A_51, %dma_start3A_57] : memref<2x10000x128xf32, #tpu.memory_space<hbm>> -> memref<1x624x128xf32, #tpu.memory_space<hbm>>
      %dma_start3A_59 = tpu.memref_squeeze %dma_start3A_58 : memref<1x624x128xf32, #tpu.memory_space<hbm>> -> memref<624x128xf32, #tpu.memory_space<hbm>>
      %dma_start3A_60 = arith.constant 0 : i32
      %dma_start3A_61 = tpu.memref_slice %arg10[%mul3A_49, %dma_start3A_60] : memref<10000x128xf32, #tpu.memory_space<vmem_shared>> -> memref<624x128xf32, #tpu.memory_space<vmem_shared>>
      tpu.enqueue_dma source(%dma_start3A_61 : memref<624x128xf32, #tpu.memory_space<vmem_shared>>) target(%dma_start3A_59 : memref<624x128xf32, #tpu.memory_space<hbm>>) target_semaphore(%run_scoped3A : memref<!tpu.dma_semaphore, #tpu.memory_space<semaphore_mem>>)
      %dma_wait3A_62 = arith.constant 0 : i32
      %dma_wait3A_63 = tpu.memref_slice %arg5[%arg0, %mul3A_51, %dma_wait3A_62] : memref<2x10000x128xf32, #tpu.memory_space<hbm>> -> memref<1x624x128xf32, #tpu.memory_space<hbm>>
      %dma_wait3A_64 = tpu.memref_squeeze %dma_wait3A_63 : memref<1x624x128xf32, #tpu.memory_space<hbm>> -> memref<624x128xf32, #tpu.memory_space<hbm>>
      %dma_wait3A_65 = arith.constant 0 : i32
      %dma_wait3A_66 = tpu.memref_slice %arg10[%mul3A_49, %dma_wait3A_65] : memref<10000x128xf32, #tpu.memory_space<vmem_shared>> -> memref<624x128xf32, #tpu.memory_space<vmem_shared>>
      tpu.wait_dma2 semaphore(%run_scoped3A : memref<!tpu.dma_semaphore, #tpu.memory_space<semaphore_mem>>) src(%dma_wait3A_66 : memref<624x128xf32, #tpu.memory_space<vmem_shared>>) dst(%dma_wait3A_64 : memref<624x128xf32, #tpu.memory_space<hbm>>)
      tpu.yield
    }) : () -> ()
    %eq3A_52 = arith.constant 15 : i32
    %eq3A_53 = arith.cmpi eq, %arg1, %eq3A_52 : i32
    %convert_element_type3A_54 = arith.extui %eq3A_53 : i1 to i32
    %cond3A_55 = arith.constant 0 : i32
    %cond3A_56 = arith.cmpi ne, %convert_element_type3A_54, %cond3A_55 : i32
    scf.if %cond3A_56 {
      "tpu.region"() ({
        %run_scoped3A = tpu.sem_alloc : memref<!tpu.dma_semaphore, #tpu.memory_space<semaphore_mem>>
        %dma_start3A_57 = arith.constant 9984 : i32
        %dma_start3A_58 = arith.constant 0 : i32
        %dma_start3A_59 = tpu.memref_slice %arg5[%arg0, %dma_start3A_57, %dma_start3A_58] : memref<2x10000x128xf32, #tpu.memory_space<hbm>> -> memref<1x16x128xf32, #tpu.memory_space<hbm>>
        %dma_start3A_60 = tpu.memref_squeeze %dma_start3A_59 : memref<1x16x128xf32, #tpu.memory_space<hbm>> -> memref<16x128xf32, #tpu.memory_space<hbm>>
        %dma_start3A_61 = arith.constant 9984 : i32
        %dma_start3A_62 = arith.constant 0 : i32
        %dma_start3A_63 = tpu.memref_slice %arg10[%dma_start3A_61, %dma_start3A_62] : memref<10000x128xf32, #tpu.memory_space<vmem_shared>> -> memref<16x128xf32, #tpu.memory_space<vmem_shared>>
        tpu.enqueue_dma source(%dma_start3A_63 : memref<16x128xf32, #tpu.memory_space<vmem_shared>>) target(%dma_start3A_60 : memref<16x128xf32, #tpu.memory_space<hbm>>) target_semaphore(%run_scoped3A : memref<!tpu.dma_semaphore, #tpu.memory_space<semaphore_mem>>)
        %dma_wait3A_64 = arith.constant 9984 : i32
        %dma_wait3A_65 = arith.constant 0 : i32
        %dma_wait3A_66 = tpu.memref_slice %arg5[%arg0, %dma_wait3A_64, %dma_wait3A_65] : memref<2x10000x128xf32, #tpu.memory_space<hbm>> -> memref<1x16x128xf32, #tpu.memory_space<hbm>>
        %dma_wait3A_67 = tpu.memref_squeeze %dma_wait3A_66 : memref<1x16x128xf32, #tpu.memory_space<hbm>> -> memref<16x128xf32, #tpu.memory_space<hbm>>
        %dma_wait3A_68 = arith.constant 9984 : i32
        %dma_wait3A_69 = arith.constant 0 : i32
        %dma_wait3A_70 = tpu.memref_slice %arg10[%dma_wait3A_68, %dma_wait3A_69] : memref<10000x128xf32, #tpu.memory_space<vmem_shared>> -> memref<16x128xf32, #tpu.memory_space<vmem_shared>>
        tpu.wait_dma2 semaphore(%run_scoped3A : memref<!tpu.dma_semaphore, #tpu.memory_space<semaphore_mem>>) src(%dma_wait3A_70 : memref<16x128xf32, #tpu.memory_space<vmem_shared>>) dst(%dma_wait3A_67 : memref<16x128xf32, #tpu.memory_space<hbm>>)
        tpu.yield
      }) : () -> ()
    } else {
    }
    return
  }
}

module attributes {stable_mosaic.version = 14 : i64} {
  func.func @_stem_body(%arg0: memref<2x10000x128xf32, #tpu.memory_space<vmem>>, %arg1: memref<16x128xf32, #tpu.memory_space<vmem>>, %arg2: memref<1x128xf32, #tpu.memory_space<vmem>>, %arg3: memref<10000x128xf32, #tpu.memory_space<vmem>>, %arg4: memref<10000x1xf32, #tpu.memory_space<vmem>>) attributes {dimension_semantics = [], scalar_prefetch = 0 : i64, scratch_operands = 0 : i64, tpu.core_type = #tpu.core_type<tc>} {
    %get3A = arith.constant 0 : index
    %get3A_0 = arith.constant 0 : index
    %get3A_1 = arith.constant 0 : index
    %get3A_2 = vector.load %arg0[%get3A, %get3A_0, %get3A_1] : memref<2x10000x128xf32, #tpu.memory_space<vmem>>, vector<1x10000x128xf32>
    %get3A_3 = vector.shape_cast %get3A_2 : vector<1x10000x128xf32> to vector<10000x128xf32>
    %get3A_4 = arith.constant 1 : index
    %get3A_5 = arith.constant 0 : index
    %get3A_6 = arith.constant 0 : index
    %get3A_7 = vector.load %arg0[%get3A_4, %get3A_5, %get3A_6] : memref<2x10000x128xf32, #tpu.memory_space<vmem>>, vector<1x10000x128xf32>
    %get3A_8 = vector.shape_cast %get3A_7 : vector<1x10000x128xf32> to vector<10000x128xf32>
    %add3A = arith.addf %get3A_3, %get3A_8 : vector<10000x128xf32>
    %slice3A = vector.extract_strided_slice %add3A {offsets = [0, 4], sizes = [10000, 1], strides = [1, 1]} : vector<10000x128xf32> to vector<10000x1xf32>
    %max3A = arith.constant 1.000000e+00 : f32
    %max3A_9 = vector.broadcast %max3A : f32 to vector<10000x1xf32>
    %max3A_10 = arith.maximumf %slice3A, %max3A_9 : vector<10000x1xf32>
    %div3A = arith.constant 1.000000e+00 : f32
    %div3A_11 = vector.broadcast %div3A : f32 to vector<10000x1xf32>
    %div3A_12 = arith.divf %div3A_11, %max3A_10 : vector<10000x1xf32>
    %slice3A_13 = vector.extract_strided_slice %add3A {offsets = [0, 0], sizes = [10000, 16], strides = [1, 1]} : vector<10000x128xf32> to vector<10000x16xf32>
    %get3A_14 = arith.constant 0 : index
    %get3A_15 = arith.constant 0 : index
    %get3A_16 = vector.load %arg1[%get3A_14, %get3A_15] : memref<16x128xf32, #tpu.memory_space<vmem>>, vector<16x128xf32>
    %dot_general3A = arith.constant dense<0.000000e+00> : vector<10000x128xf32>
    %dot_general3A_17 = tpu.matmul %slice3A_13, %get3A_16, %dot_general3A {dimension_numbers = #tpu.dot_dimension_numbers<[1], [0], [0], [1], [0, 0, 1, 1], [], []>, precision = #tpu.contract_precision<fp32>, transpose_lhs_hint = false} : vector<10000x16xf32>, vector<16x128xf32>, vector<10000x128xf32> -> vector<10000x128xf32>
    %mul3A = vector.broadcast %div3A_12 : vector<10000x1xf32> to vector<10000x128xf32>
    %mul3A_18 = arith.mulf %dot_general3A_17, %mul3A : vector<10000x128xf32>
    %get3A_19 = arith.constant 0 : index
    %get3A_20 = arith.constant 0 : index
    %get3A_21 = vector.load %arg2[%get3A_19, %get3A_20] : memref<1x128xf32, #tpu.memory_space<vmem>>, vector<1x128xf32>
    %add3A_22 = vector.broadcast %get3A_21 : vector<1x128xf32> to vector<10000x128xf32>
    %add3A_23 = arith.addf %mul3A_18, %add3A_22 : vector<10000x128xf32>
    %reduce_sum3A = arith.constant dense<0.000000e+00> : vector<128xf32>
    %reduce_sum3A_24 = vector.multi_reduction <add>, %add3A_23, %reduce_sum3A [0] : vector<10000x128xf32> to vector<128xf32>
    %broadcast_in_dim3A = vector.shape_cast %reduce_sum3A_24 : vector<128xf32> to vector<1x128xf32>
    %div3A_25 = arith.constant 1.000000e+04 : f32
    %div3A_26 = vector.broadcast %div3A_25 : f32 to vector<1x128xf32>
    %div3A_27 = arith.divf %broadcast_in_dim3A, %div3A_26 : vector<1x128xf32>
    %jit3A = arith.constant 0 : i32
    %reduce_sum3A_28 = arith.constant dense<0.000000e+00> : vector<128xf32>
    %reduce_sum3A_29 = vector.multi_reduction <add>, %add3A_23, %reduce_sum3A_28 [0] : vector<10000x128xf32> to vector<128xf32>
    %broadcast_in_dim3A_30 = vector.shape_cast %reduce_sum3A_29 : vector<128xf32> to vector<1x128xf32>
    %div3A_31 = arith.constant 1.000000e+04 : f32
    %div3A_32 = vector.broadcast %div3A_31 : f32 to vector<1x128xf32>
    %div3A_33 = arith.divf %broadcast_in_dim3A_30, %div3A_32 : vector<1x128xf32>
    %sub3A = vector.broadcast %div3A_33 : vector<1x128xf32> to vector<10000x128xf32>
    %sub3A_34 = arith.subf %add3A_23, %sub3A : vector<10000x128xf32>
    %square3A = arith.mulf %sub3A_34, %sub3A_34 : vector<10000x128xf32>
    %convert_element_type3A = arith.sitofp %jit3A : i32 to f32
    %sub3A_35 = arith.constant 1.000000e+04 : f32
    %sub3A_36 = arith.subf %sub3A_35, %convert_element_type3A : f32
    %reduce_sum3A_37 = arith.constant dense<0.000000e+00> : vector<128xf32>
    %reduce_sum3A_38 = vector.multi_reduction <add>, %square3A, %reduce_sum3A_37 [0] : vector<10000x128xf32> to vector<128xf32>
    %broadcast_in_dim3A_39 = vector.shape_cast %reduce_sum3A_38 : vector<128xf32> to vector<1x128xf32>
    %div3A_40 = vector.broadcast %sub3A_36 : f32 to vector<1x128xf32>
    %div3A_41 = arith.divf %broadcast_in_dim3A_39, %div3A_40 : vector<1x128xf32>
    %gt3A = arith.constant 0.000000e+00 : f32
    %gt3A_42 = arith.cmpf ogt, %sub3A_36, %gt3A : f32
    %jit3A_43 = arith.constant 0x7FC00000 : f32
    %broadcast_in_dim3A_44 = vector.broadcast %jit3A_43 : f32 to vector<1x128xf32>
    %select_n3A = arith.select %gt3A_42, %div3A_41, %broadcast_in_dim3A_44 : vector<1x128xf32>
    %sub3A_45 = vector.broadcast %div3A_27 : vector<1x128xf32> to vector<10000x128xf32>
    %sub3A_46 = arith.subf %add3A_23, %sub3A_45 : vector<10000x128xf32>
    %add3A_47 = arith.constant 9.99999974E-6 : f32
    %add3A_48 = vector.broadcast %add3A_47 : f32 to vector<1x128xf32>
    %add3A_49 = arith.addf %select_n3A, %add3A_48 : vector<1x128xf32>
    %sqrt3A = math.sqrt %add3A_49 : vector<1x128xf32>
    %div3A_50 = vector.broadcast %sqrt3A : vector<1x128xf32> to vector<10000x128xf32>
    %div3A_51 = arith.divf %sub3A_46, %div3A_50 : vector<10000x128xf32>
    %max3A_52 = arith.constant 0.000000e+00 : f32
    %max3A_53 = vector.broadcast %max3A_52 : f32 to vector<10000x128xf32>
    %max3A_54 = arith.maximumf %div3A_51, %max3A_53 : vector<10000x128xf32>
    %swap3A = arith.constant 0 : index
    %swap3A_55 = arith.constant 0 : index
    %swap3A_56 = vector.load %arg3[%swap3A, %swap3A_55] : memref<10000x128xf32, #tpu.memory_space<vmem>>, vector<10000x128xf32>
    tpu.vector_store %arg3[%swap3A, %swap3A_55], %max3A_54 {strides = array<i32>} : memref<10000x128xf32, #tpu.memory_space<vmem>>, vector<10000x128xf32>,
    %swap3A_57 = arith.constant 0 : index
    %swap3A_58 = arith.constant 0 : index
    %swap3A_59 = vector.load %arg4[%swap3A_57, %swap3A_58] : memref<10000x1xf32, #tpu.memory_space<vmem>>, vector<10000x1xf32>
    tpu.vector_store %arg4[%swap3A_57, %swap3A_58], %div3A_12 {strides = array<i32>} : memref<10000x1xf32, #tpu.memory_space<vmem>>, vector<10000x1xf32>,
    return
  }
}

module attributes {stable_mosaic.version = 14 : i64} {
  func.func @_mid_body(%arg0: memref<2x10000x128xf32, #tpu.memory_space<vmem>>, %arg1: memref<10000x1xf32, #tpu.memory_space<vmem>>, %arg2: memref<128x128xf32, #tpu.memory_space<vmem>>, %arg3: memref<1x128xf32, #tpu.memory_space<vmem>>, %arg4: memref<10000x128xf32, #tpu.memory_space<vmem>>) attributes {dimension_semantics = [], scalar_prefetch = 0 : i64, scratch_operands = 0 : i64, tpu.core_type = #tpu.core_type<tc>} {
    %get3A = arith.constant 0 : index
    %get3A_0 = arith.constant 0 : index
    %get3A_1 = arith.constant 0 : index
    %get3A_2 = vector.load %arg0[%get3A, %get3A_0, %get3A_1] : memref<2x10000x128xf32, #tpu.memory_space<vmem>>, vector<1x10000x128xf32>
    %get3A_3 = vector.shape_cast %get3A_2 : vector<1x10000x128xf32> to vector<10000x128xf32>
    %get3A_4 = arith.constant 1 : index
    %get3A_5 = arith.constant 0 : index
    %get3A_6 = arith.constant 0 : index
    %get3A_7 = vector.load %arg0[%get3A_4, %get3A_5, %get3A_6] : memref<2x10000x128xf32, #tpu.memory_space<vmem>>, vector<1x10000x128xf32>
    %get3A_8 = vector.shape_cast %get3A_7 : vector<1x10000x128xf32> to vector<10000x128xf32>
    %add3A = arith.addf %get3A_3, %get3A_8 : vector<10000x128xf32>
    %get3A_9 = arith.constant 0 : index
    %get3A_10 = arith.constant 0 : index
    %get3A_11 = vector.load %arg2[%get3A_9, %get3A_10] : memref<128x128xf32, #tpu.memory_space<vmem>>, vector<128x128xf32>
    %convert_element_type3A = arith.truncf %add3A : vector<10000x128xf32> to vector<10000x128xbf16>
    %convert_element_type3A_12 = arith.extf %convert_element_type3A : vector<10000x128xbf16> to vector<10000x128xf32>
    %sub3A = arith.subf %add3A, %convert_element_type3A_12 : vector<10000x128xf32>
    %convert_element_type3A_13 = arith.truncf %sub3A : vector<10000x128xf32> to vector<10000x128xbf16>
    %convert_element_type3A_14 = arith.truncf %get3A_11 : vector<128x128xf32> to vector<128x128xbf16>
    %convert_element_type3A_15 = arith.extf %convert_element_type3A_14 : vector<128x128xbf16> to vector<128x128xf32>
    %sub3A_16 = arith.subf %get3A_11, %convert_element_type3A_15 : vector<128x128xf32>
    %convert_element_type3A_17 = arith.truncf %sub3A_16 : vector<128x128xf32> to vector<128x128xbf16>
    %dot_general3A = arith.constant dense<0.000000e+00> : vector<10000x128xf32>
    %dot_general3A_18 = tpu.matmul %convert_element_type3A, %convert_element_type3A_14, %dot_general3A {dimension_numbers = #tpu.dot_dimension_numbers<[1], [0], [0], [1], [0, 0, 1, 1], [], []>, transpose_lhs_hint = false} : vector<10000x128xbf16>, vector<128x128xbf16>, vector<10000x128xf32> -> vector<10000x128xf32>
    %dot_general3A_19 = arith.constant dense<0.000000e+00> : vector<10000x128xf32>
    %dot_general3A_20 = tpu.matmul %convert_element_type3A_13, %convert_element_type3A_14, %dot_general3A_19 {dimension_numbers = #tpu.dot_dimension_numbers<[1], [0], [0], [1], [0, 0, 1, 1], [], []>, transpose_lhs_hint = false} : vector<10000x128xbf16>, vector<128x128xbf16>, vector<10000x128xf32> -> vector<10000x128xf32>
    %dot_general3A_21 = arith.constant dense<0.000000e+00> : vector<10000x128xf32>
    %dot_general3A_22 = tpu.matmul %convert_element_type3A, %convert_element_type3A_17, %dot_general3A_21 {dimension_numbers = #tpu.dot_dimension_numbers<[1], [0], [0], [1], [0, 0, 1, 1], [], []>, transpose_lhs_hint = false} : vector<10000x128xbf16>, vector<128x128xbf16>, vector<10000x128xf32> -> vector<10000x128xf32>
    %add3A_23 = arith.addf %dot_general3A_20, %dot_general3A_22 : vector<10000x128xf32>
    %add3A_24 = arith.addf %dot_general3A_18, %add3A_23 : vector<10000x128xf32>
    %get3A_25 = arith.constant 0 : index
    %get3A_26 = arith.constant 0 : index
    %get3A_27 = vector.load %arg1[%get3A_25, %get3A_26] : memref<10000x1xf32, #tpu.memory_space<vmem>>, vector<10000x1xf32>
    %mul3A = vector.broadcast %get3A_27 : vector<10000x1xf32> to vector<10000x128xf32>
    %mul3A_28 = arith.mulf %add3A_24, %mul3A : vector<10000x128xf32>
    %get3A_29 = arith.constant 0 : index
    %get3A_30 = arith.constant 0 : index
    %get3A_31 = vector.load %arg3[%get3A_29, %get3A_30] : memref<1x128xf32, #tpu.memory_space<vmem>>, vector<1x128xf32>
    %add3A_32 = vector.broadcast %get3A_31 : vector<1x128xf32> to vector<10000x128xf32>
    %add3A_33 = arith.addf %mul3A_28, %add3A_32 : vector<10000x128xf32>
    %reduce_sum3A = arith.constant dense<0.000000e+00> : vector<128xf32>
    %reduce_sum3A_34 = vector.multi_reduction <add>, %add3A_33, %reduce_sum3A [0] : vector<10000x128xf32> to vector<128xf32>
    %broadcast_in_dim3A = vector.shape_cast %reduce_sum3A_34 : vector<128xf32> to vector<1x128xf32>
    %div3A = arith.constant 1.000000e+04 : f32
    %div3A_35 = vector.broadcast %div3A : f32 to vector<1x128xf32>
    %div3A_36 = arith.divf %broadcast_in_dim3A, %div3A_35 : vector<1x128xf32>
    %jit3A = arith.constant 0 : i32
    %reduce_sum3A_37 = arith.constant dense<0.000000e+00> : vector<128xf32>
    %reduce_sum3A_38 = vector.multi_reduction <add>, %add3A_33, %reduce_sum3A_37 [0] : vector<10000x128xf32> to vector<128xf32>
    %broadcast_in_dim3A_39 = vector.shape_cast %reduce_sum3A_38 : vector<128xf32> to vector<1x128xf32>
    %div3A_40 = arith.constant 1.000000e+04 : f32
    %div3A_41 = vector.broadcast %div3A_40 : f32 to vector<1x128xf32>
    %div3A_42 = arith.divf %broadcast_in_dim3A_39, %div3A_41 : vector<1x128xf32>
    %sub3A_43 = vector.broadcast %div3A_42 : vector<1x128xf32> to vector<10000x128xf32>
    %sub3A_44 = arith.subf %add3A_33, %sub3A_43 : vector<10000x128xf32>
    %square3A = arith.mulf %sub3A_44, %sub3A_44 : vector<10000x128xf32>
    %convert_element_type3A_45 = arith.sitofp %jit3A : i32 to f32
    %sub3A_46 = arith.constant 1.000000e+04 : f32
    %sub3A_47 = arith.subf %sub3A_46, %convert_element_type3A_45 : f32
    %reduce_sum3A_48 = arith.constant dense<0.000000e+00> : vector<128xf32>
    %reduce_sum3A_49 = vector.multi_reduction <add>, %square3A, %reduce_sum3A_48 [0] : vector<10000x128xf32> to vector<128xf32>
    %broadcast_in_dim3A_50 = vector.shape_cast %reduce_sum3A_49 : vector<128xf32> to vector<1x128xf32>
    %div3A_51 = vector.broadcast %sub3A_47 : f32 to vector<1x128xf32>
    %div3A_52 = arith.divf %broadcast_in_dim3A_50, %div3A_51 : vector<1x128xf32>
    %gt3A = arith.constant 0.000000e+00 : f32
    %gt3A_53 = arith.cmpf ogt, %sub3A_47, %gt3A : f32
    %jit3A_54 = arith.constant 0x7FC00000 : f32
    %broadcast_in_dim3A_55 = vector.broadcast %jit3A_54 : f32 to vector<1x128xf32>
    %select_n3A = arith.select %gt3A_53, %div3A_52, %broadcast_in_dim3A_55 : vector<1x128xf32>
    %sub3A_56 = vector.broadcast %div3A_36 : vector<1x128xf32> to vector<10000x128xf32>
    %sub3A_57 = arith.subf %add3A_33, %sub3A_56 : vector<10000x128xf32>
    %add3A_58 = arith.constant 9.99999974E-6 : f32
    %add3A_59 = vector.broadcast %add3A_58 : f32 to vector<1x128xf32>
    %add3A_60 = arith.addf %select_n3A, %add3A_59 : vector<1x128xf32>
    %sqrt3A = math.sqrt %add3A_60 : vector<1x128xf32>
    %div3A_61 = vector.broadcast %sqrt3A : vector<1x128xf32> to vector<10000x128xf32>
    %div3A_62 = arith.divf %sub3A_57, %div3A_61 : vector<10000x128xf32>
    %max3A = arith.constant 0.000000e+00 : f32
    %max3A_63 = vector.broadcast %max3A : f32 to vector<10000x128xf32>
    %max3A_64 = arith.maximumf %div3A_62, %max3A_63 : vector<10000x128xf32>
    %swap3A = arith.constant 0 : index
    %swap3A_65 = arith.constant 0 : index
    %swap3A_66 = vector.load %arg4[%swap3A, %swap3A_65] : memref<10000x128xf32, #tpu.memory_space<vmem>>, vector<10000x128xf32>
    tpu.vector_store %arg4[%swap3A, %swap3A_65], %max3A_64 {strides = array<i32>} : memref<10000x128xf32, #tpu.memory_space<vmem>>, vector<10000x128xf32>,
    return
  }
}

module attributes {stable_mosaic.version = 14 : i64} {
  func.func @_final_a_body(%arg0: memref<2x10000x128xf32, #tpu.memory_space<vmem>>, %arg1: memref<10000x1xf32, #tpu.memory_space<vmem>>, %arg2: memref<128x128xf32, #tpu.memory_space<vmem>>, %arg3: memref<1x128xf32, #tpu.memory_space<vmem>>, %arg4: memref<10000x128xf32, #tpu.memory_space<vmem>>) attributes {dimension_semantics = [], scalar_prefetch = 0 : i64, scratch_operands = 0 : i64, tpu.core_type = #tpu.core_type<tc>} {
    %get3A = arith.constant 0 : index
    %get3A_0 = arith.constant 0 : index
    %get3A_1 = arith.constant 0 : index
    %get3A_2 = vector.load %arg0[%get3A, %get3A_0, %get3A_1] : memref<2x10000x128xf32, #tpu.memory_space<vmem>>, vector<1x10000x128xf32>
    %get3A_3 = vector.shape_cast %get3A_2 : vector<1x10000x128xf32> to vector<10000x128xf32>
    %get3A_4 = arith.constant 1 : index
    %get3A_5 = arith.constant 0 : index
    %get3A_6 = arith.constant 0 : index
    %get3A_7 = vector.load %arg0[%get3A_4, %get3A_5, %get3A_6] : memref<2x10000x128xf32, #tpu.memory_space<vmem>>, vector<1x10000x128xf32>
    %get3A_8 = vector.shape_cast %get3A_7 : vector<1x10000x128xf32> to vector<10000x128xf32>
    %add3A = arith.addf %get3A_3, %get3A_8 : vector<10000x128xf32>
    %get3A_9 = arith.constant 0 : index
    %get3A_10 = arith.constant 0 : index
    %get3A_11 = vector.load %arg2[%get3A_9, %get3A_10] : memref<128x128xf32, #tpu.memory_space<vmem>>, vector<128x128xf32>
    %convert_element_type3A = arith.truncf %add3A : vector<10000x128xf32> to vector<10000x128xbf16>
    %convert_element_type3A_12 = arith.extf %convert_element_type3A : vector<10000x128xbf16> to vector<10000x128xf32>
    %sub3A = arith.subf %add3A, %convert_element_type3A_12 : vector<10000x128xf32>
    %convert_element_type3A_13 = arith.truncf %sub3A : vector<10000x128xf32> to vector<10000x128xbf16>
    %convert_element_type3A_14 = arith.truncf %get3A_11 : vector<128x128xf32> to vector<128x128xbf16>
    %convert_element_type3A_15 = arith.extf %convert_element_type3A_14 : vector<128x128xbf16> to vector<128x128xf32>
    %sub3A_16 = arith.subf %get3A_11, %convert_element_type3A_15 : vector<128x128xf32>
    %convert_element_type3A_17 = arith.truncf %sub3A_16 : vector<128x128xf32> to vector<128x128xbf16>
    %dot_general3A = arith.constant dense<0.000000e+00> : vector<10000x128xf32>
    %dot_general3A_18 = tpu.matmul %convert_element_type3A, %convert_element_type3A_14, %dot_general3A {dimension_numbers = #tpu.dot_dimension_numbers<[1], [0], [0], [1], [0, 0, 1, 1], [], []>, transpose_lhs_hint = false} : vector<10000x128xbf16>, vector<128x128xbf16>, vector<10000x128xf32> -> vector<10000x128xf32>
    %dot_general3A_19 = arith.constant dense<0.000000e+00> : vector<10000x128xf32>
    %dot_general3A_20 = tpu.matmul %convert_element_type3A_13, %convert_element_type3A_14, %dot_general3A_19 {dimension_numbers = #tpu.dot_dimension_numbers<[1], [0], [0], [1], [0, 0, 1, 1], [], []>, transpose_lhs_hint = false} : vector<10000x128xbf16>, vector<128x128xbf16>, vector<10000x128xf32> -> vector<10000x128xf32>
    %dot_general3A_21 = arith.constant dense<0.000000e+00> : vector<10000x128xf32>
    %dot_general3A_22 = tpu.matmul %convert_element_type3A, %convert_element_type3A_17, %dot_general3A_21 {dimension_numbers = #tpu.dot_dimension_numbers<[1], [0], [0], [1], [0, 0, 1, 1], [], []>, transpose_lhs_hint = false} : vector<10000x128xbf16>, vector<128x128xbf16>, vector<10000x128xf32> -> vector<10000x128xf32>
    %add3A_23 = arith.addf %dot_general3A_20, %dot_general3A_22 : vector<10000x128xf32>
    %add3A_24 = arith.addf %dot_general3A_18, %add3A_23 : vector<10000x128xf32>
    %get3A_25 = arith.constant 0 : index
    %get3A_26 = arith.constant 0 : index
    %get3A_27 = vector.load %arg1[%get3A_25, %get3A_26] : memref<10000x1xf32, #tpu.memory_space<vmem>>, vector<10000x1xf32>
    %mul3A = vector.broadcast %get3A_27 : vector<10000x1xf32> to vector<10000x128xf32>
    %mul3A_28 = arith.mulf %add3A_24, %mul3A : vector<10000x128xf32>
    %get3A_29 = arith.constant 0 : index
    %get3A_30 = arith.constant 0 : index
    %get3A_31 = vector.load %arg3[%get3A_29, %get3A_30] : memref<1x128xf32, #tpu.memory_space<vmem>>, vector<1x128xf32>
    %add3A_32 = vector.broadcast %get3A_31 : vector<1x128xf32> to vector<10000x128xf32>
    %add3A_33 = arith.addf %mul3A_28, %add3A_32 : vector<10000x128xf32>
    %reduce_sum3A = arith.constant dense<0.000000e+00> : vector<128xf32>
    %reduce_sum3A_34 = vector.multi_reduction <add>, %add3A_33, %reduce_sum3A [0] : vector<10000x128xf32> to vector<128xf32>
    %broadcast_in_dim3A = vector.shape_cast %reduce_sum3A_34 : vector<128xf32> to vector<1x128xf32>
    %div3A = arith.constant 1.000000e+04 : f32
    %div3A_35 = vector.broadcast %div3A : f32 to vector<1x128xf32>
    %div3A_36 = arith.divf %broadcast_in_dim3A, %div3A_35 : vector<1x128xf32>
    %jit3A = arith.constant 0 : i32
    %reduce_sum3A_37 = arith.constant dense<0.000000e+00> : vector<128xf32>
    %reduce_sum3A_38 = vector.multi_reduction <add>, %add3A_33, %reduce_sum3A_37 [0] : vector<10000x128xf32> to vector<128xf32>
    %broadcast_in_dim3A_39 = vector.shape_cast %reduce_sum3A_38 : vector<128xf32> to vector<1x128xf32>
    %div3A_40 = arith.constant 1.000000e+04 : f32
    %div3A_41 = vector.broadcast %div3A_40 : f32 to vector<1x128xf32>
    %div3A_42 = arith.divf %broadcast_in_dim3A_39, %div3A_41 : vector<1x128xf32>
    %sub3A_43 = vector.broadcast %div3A_42 : vector<1x128xf32> to vector<10000x128xf32>
    %sub3A_44 = arith.subf %add3A_33, %sub3A_43 : vector<10000x128xf32>
    %square3A = arith.mulf %sub3A_44, %sub3A_44 : vector<10000x128xf32>
    %convert_element_type3A_45 = arith.sitofp %jit3A : i32 to f32
    %sub3A_46 = arith.constant 1.000000e+04 : f32
    %sub3A_47 = arith.subf %sub3A_46, %convert_element_type3A_45 : f32
    %reduce_sum3A_48 = arith.constant dense<0.000000e+00> : vector<128xf32>
    %reduce_sum3A_49 = vector.multi_reduction <add>, %square3A, %reduce_sum3A_48 [0] : vector<10000x128xf32> to vector<128xf32>
    %broadcast_in_dim3A_50 = vector.shape_cast %reduce_sum3A_49 : vector<128xf32> to vector<1x128xf32>
    %div3A_51 = vector.broadcast %sub3A_47 : f32 to vector<1x128xf32>
    %div3A_52 = arith.divf %broadcast_in_dim3A_50, %div3A_51 : vector<1x128xf32>
    %gt3A = arith.constant 0.000000e+00 : f32
    %gt3A_53 = arith.cmpf ogt, %sub3A_47, %gt3A : f32
    %jit3A_54 = arith.constant 0x7FC00000 : f32
    %broadcast_in_dim3A_55 = vector.broadcast %jit3A_54 : f32 to vector<1x128xf32>
    %select_n3A = arith.select %gt3A_53, %div3A_52, %broadcast_in_dim3A_55 : vector<1x128xf32>
    %sub3A_56 = vector.broadcast %div3A_36 : vector<1x128xf32> to vector<10000x128xf32>
    %sub3A_57 = arith.subf %add3A_33, %sub3A_56 : vector<10000x128xf32>
    %add3A_58 = arith.constant 9.99999974E-6 : f32
    %add3A_59 = vector.broadcast %add3A_58 : f32 to vector<1x128xf32>
    %add3A_60 = arith.addf %select_n3A, %add3A_59 : vector<1x128xf32>
    %sqrt3A = math.sqrt %add3A_60 : vector<1x128xf32>
    %div3A_61 = vector.broadcast %sqrt3A : vector<1x128xf32> to vector<10000x128xf32>
    %div3A_62 = arith.divf %sub3A_57, %div3A_61 : vector<10000x128xf32>
    %swap3A = arith.constant 0 : index
    %swap3A_63 = arith.constant 0 : index
    %swap3A_64 = vector.load %arg4[%swap3A, %swap3A_63] : memref<10000x128xf32, #tpu.memory_space<vmem>>, vector<10000x128xf32>
    tpu.vector_store %arg4[%swap3A, %swap3A_63], %div3A_62 {strides = array<i32>} : memref<10000x128xf32, #tpu.memory_space<vmem>>, vector<10000x128xf32>,
    return
  }
}

module attributes {stable_mosaic.version = 14 : i64} {
  func.func @_final_b_body(%arg0: memref<10000x128xf32, #tpu.memory_space<vmem>>, %arg1: memref<10000x128xf32, #tpu.memory_space<vmem>>, %arg2: memref<128x128xf32, #tpu.memory_space<vmem>>, %arg3: memref<1x128xf32, #tpu.memory_space<vmem>>, %arg4: memref<128x20xf32, #tpu.memory_space<vmem>>, %arg5: memref<1x20xf32, #tpu.memory_space<vmem>>, %arg6: memref<10000x20xf32, #tpu.memory_space<vmem>>, %arg7: memref<10000x20xf32, #tpu.memory_space<vmem>>, %arg8: memref<10000x128xf32, #tpu.memory_space<vmem>>, %arg9: memref<1x1xf32, #tpu.memory_space<vmem>>) attributes {dimension_semantics = [], scalar_prefetch = 0 : i64, scratch_operands = 0 : i64, tpu.core_type = #tpu.core_type<tc>} {
    %get3A = arith.constant 0 : index
    %get3A_0 = arith.constant 0 : index
    %get3A_1 = vector.load %arg1[%get3A, %get3A_0] : memref<10000x128xf32, #tpu.memory_space<vmem>>, vector<10000x128xf32>
    %get3A_2 = arith.constant 0 : index
    %get3A_3 = arith.constant 0 : index
    %get3A_4 = vector.load %arg0[%get3A_2, %get3A_3] : memref<10000x128xf32, #tpu.memory_space<vmem>>, vector<10000x128xf32>
    %add3A = arith.addf %get3A_4, %get3A_1 : vector<10000x128xf32>
    %reduce_sum3A = arith.constant dense<0.000000e+00> : vector<128xf32>
    %reduce_sum3A_5 = vector.multi_reduction <add>, %add3A, %reduce_sum3A [0] : vector<10000x128xf32> to vector<128xf32>
    %broadcast_in_dim3A = vector.shape_cast %reduce_sum3A_5 : vector<128xf32> to vector<1x128xf32>
    %div3A = arith.constant 1.000000e+04 : f32
    %div3A_6 = vector.broadcast %div3A : f32 to vector<1x128xf32>
    %div3A_7 = arith.divf %broadcast_in_dim3A, %div3A_6 : vector<1x128xf32>
    %jit3A = arith.constant 0 : i32
    %reduce_sum3A_8 = arith.constant dense<0.000000e+00> : vector<128xf32>
    %reduce_sum3A_9 = vector.multi_reduction <add>, %add3A, %reduce_sum3A_8 [0] : vector<10000x128xf32> to vector<128xf32>
    %broadcast_in_dim3A_10 = vector.shape_cast %reduce_sum3A_9 : vector<128xf32> to vector<1x128xf32>
    %div3A_11 = arith.constant 1.000000e+04 : f32
    %div3A_12 = vector.broadcast %div3A_11 : f32 to vector<1x128xf32>
    %div3A_13 = arith.divf %broadcast_in_dim3A_10, %div3A_12 : vector<1x128xf32>
    %sub3A = vector.broadcast %div3A_13 : vector<1x128xf32> to vector<10000x128xf32>
    %sub3A_14 = arith.subf %add3A, %sub3A : vector<10000x128xf32>
    %square3A = arith.mulf %sub3A_14, %sub3A_14 : vector<10000x128xf32>
    %convert_element_type3A = arith.sitofp %jit3A : i32 to f32
    %sub3A_15 = arith.constant 1.000000e+04 : f32
    %sub3A_16 = arith.subf %sub3A_15, %convert_element_type3A : f32
    %reduce_sum3A_17 = arith.constant dense<0.000000e+00> : vector<128xf32>
    %reduce_sum3A_18 = vector.multi_reduction <add>, %square3A, %reduce_sum3A_17 [0] : vector<10000x128xf32> to vector<128xf32>
    %broadcast_in_dim3A_19 = vector.shape_cast %reduce_sum3A_18 : vector<128xf32> to vector<1x128xf32>
    %div3A_20 = vector.broadcast %sub3A_16 : f32 to vector<1x128xf32>
    %div3A_21 = arith.divf %broadcast_in_dim3A_19, %div3A_20 : vector<1x128xf32>
    %gt3A = arith.constant 0.000000e+00 : f32
    %gt3A_22 = arith.cmpf ogt, %sub3A_16, %gt3A : f32
    %jit3A_23 = arith.constant 0x7FC00000 : f32
    %broadcast_in_dim3A_24 = vector.broadcast %jit3A_23 : f32 to vector<1x128xf32>
    %select_n3A = arith.select %gt3A_22, %div3A_21, %broadcast_in_dim3A_24 : vector<1x128xf32>
    %sub3A_25 = vector.broadcast %div3A_7 : vector<1x128xf32> to vector<10000x128xf32>
    %sub3A_26 = arith.subf %add3A, %sub3A_25 : vector<10000x128xf32>
    %add3A_27 = arith.constant 9.99999974E-6 : f32
    %add3A_28 = vector.broadcast %add3A_27 : f32 to vector<1x128xf32>
    %add3A_29 = arith.addf %select_n3A, %add3A_28 : vector<1x128xf32>
    %sqrt3A = math.sqrt %add3A_29 : vector<1x128xf32>
    %div3A_30 = vector.broadcast %sqrt3A : vector<1x128xf32> to vector<10000x128xf32>
    %div3A_31 = arith.divf %sub3A_26, %div3A_30 : vector<10000x128xf32>
    %max3A = arith.constant 0.000000e+00 : f32
    %max3A_32 = vector.broadcast %max3A : f32 to vector<10000x128xf32>
    %max3A_33 = arith.maximumf %div3A_31, %max3A_32 : vector<10000x128xf32>
    %get3A_34 = arith.constant 0 : index
    %get3A_35 = arith.constant 0 : index
    %get3A_36 = vector.load %arg2[%get3A_34, %get3A_35] : memref<128x128xf32, #tpu.memory_space<vmem>>, vector<128x128xf32>
    %convert_element_type3A_37 = arith.truncf %max3A_33 : vector<10000x128xf32> to vector<10000x128xbf16>
    %convert_element_type3A_38 = arith.extf %convert_element_type3A_37 : vector<10000x128xbf16> to vector<10000x128xf32>
    %sub3A_39 = arith.subf %max3A_33, %convert_element_type3A_38 : vector<10000x128xf32>
    %convert_element_type3A_40 = arith.truncf %sub3A_39 : vector<10000x128xf32> to vector<10000x128xbf16>
    %convert_element_type3A_41 = arith.truncf %get3A_36 : vector<128x128xf32> to vector<128x128xbf16>
    %convert_element_type3A_42 = arith.extf %convert_element_type3A_41 : vector<128x128xbf16> to vector<128x128xf32>
    %sub3A_43 = arith.subf %get3A_36, %convert_element_type3A_42 : vector<128x128xf32>
    %convert_element_type3A_44 = arith.truncf %sub3A_43 : vector<128x128xf32> to vector<128x128xbf16>
    %dot_general3A = arith.constant dense<0.000000e+00> : vector<10000x128xf32>
    %dot_general3A_45 = tpu.matmul %convert_element_type3A_37, %convert_element_type3A_41, %dot_general3A {dimension_numbers = #tpu.dot_dimension_numbers<[1], [0], [0], [1], [0, 0, 1, 1], [], []>, transpose_lhs_hint = false} : vector<10000x128xbf16>, vector<128x128xbf16>, vector<10000x128xf32> -> vector<10000x128xf32>
    %dot_general3A_46 = arith.constant dense<0.000000e+00> : vector<10000x128xf32>
    %dot_general3A_47 = tpu.matmul %convert_element_type3A_40, %convert_element_type3A_41, %dot_general3A_46 {dimension_numbers = #tpu.dot_dimension_numbers<[1], [0], [0], [1], [0, 0, 1, 1], [], []>, transpose_lhs_hint = false} : vector<10000x128xbf16>, vector<128x128xbf16>, vector<10000x128xf32> -> vector<10000x128xf32>
    %dot_general3A_48 = arith.constant dense<0.000000e+00> : vector<10000x128xf32>
    %dot_general3A_49 = tpu.matmul %convert_element_type3A_37, %convert_element_type3A_44, %dot_general3A_48 {dimension_numbers = #tpu.dot_dimension_numbers<[1], [0], [0], [1], [0, 0, 1, 1], [], []>, transpose_lhs_hint = false} : vector<10000x128xbf16>, vector<128x128xbf16>, vector<10000x128xf32> -> vector<10000x128xf32>
    %add3A_50 = arith.addf %dot_general3A_47, %dot_general3A_49 : vector<10000x128xf32>
    %add3A_51 = arith.addf %dot_general3A_45, %add3A_50 : vector<10000x128xf32>
    %get3A_52 = arith.constant 0 : index
    %get3A_53 = arith.constant 0 : index
    %get3A_54 = vector.load %arg3[%get3A_52, %get3A_53] : memref<1x128xf32, #tpu.memory_space<vmem>>, vector<1x128xf32>
    %add3A_55 = vector.broadcast %get3A_54 : vector<1x128xf32> to vector<10000x128xf32>
    %add3A_56 = arith.addf %add3A_51, %add3A_55 : vector<10000x128xf32>
    %reduce_sum3A_57 = arith.constant dense<0.000000e+00> : vector<128xf32>
    %reduce_sum3A_58 = vector.multi_reduction <add>, %add3A_56, %reduce_sum3A_57 [0] : vector<10000x128xf32> to vector<128xf32>
    %broadcast_in_dim3A_59 = vector.shape_cast %reduce_sum3A_58 : vector<128xf32> to vector<1x128xf32>
    %div3A_60 = arith.constant 1.000000e+04 : f32
    %div3A_61 = vector.broadcast %div3A_60 : f32 to vector<1x128xf32>
    %div3A_62 = arith.divf %broadcast_in_dim3A_59, %div3A_61 : vector<1x128xf32>
    %jit3A_63 = arith.constant 0 : i32
    %reduce_sum3A_64 = arith.constant dense<0.000000e+00> : vector<128xf32>
    %reduce_sum3A_65 = vector.multi_reduction <add>, %add3A_56, %reduce_sum3A_64 [0] : vector<10000x128xf32> to vector<128xf32>
    %broadcast_in_dim3A_66 = vector.shape_cast %reduce_sum3A_65 : vector<128xf32> to vector<1x128xf32>
    %div3A_67 = arith.constant 1.000000e+04 : f32
    %div3A_68 = vector.broadcast %div3A_67 : f32 to vector<1x128xf32>
    %div3A_69 = arith.divf %broadcast_in_dim3A_66, %div3A_68 : vector<1x128xf32>
    %sub3A_70 = vector.broadcast %div3A_69 : vector<1x128xf32> to vector<10000x128xf32>
    %sub3A_71 = arith.subf %add3A_56, %sub3A_70 : vector<10000x128xf32>
    %square3A_72 = arith.mulf %sub3A_71, %sub3A_71 : vector<10000x128xf32>
    %convert_element_type3A_73 = arith.sitofp %jit3A_63 : i32 to f32
    %sub3A_74 = arith.constant 1.000000e+04 : f32
    %sub3A_75 = arith.subf %sub3A_74, %convert_element_type3A_73 : f32
    %reduce_sum3A_76 = arith.constant dense<0.000000e+00> : vector<128xf32>
    %reduce_sum3A_77 = vector.multi_reduction <add>, %square3A_72, %reduce_sum3A_76 [0] : vector<10000x128xf32> to vector<128xf32>
    %broadcast_in_dim3A_78 = vector.shape_cast %reduce_sum3A_77 : vector<128xf32> to vector<1x128xf32>
    %div3A_79 = vector.broadcast %sub3A_75 : f32 to vector<1x128xf32>
    %div3A_80 = arith.divf %broadcast_in_dim3A_78, %div3A_79 : vector<1x128xf32>
    %gt3A_81 = arith.constant 0.000000e+00 : f32
    %gt3A_82 = arith.cmpf ogt, %sub3A_75, %gt3A_81 : f32
    %jit3A_83 = arith.constant 0x7FC00000 : f32
    %broadcast_in_dim3A_84 = vector.broadcast %jit3A_83 : f32 to vector<1x128xf32>
    %select_n3A_85 = arith.select %gt3A_82, %div3A_80, %broadcast_in_dim3A_84 : vector<1x128xf32>
    %sub3A_86 = vector.broadcast %div3A_62 : vector<1x128xf32> to vector<10000x128xf32>
    %sub3A_87 = arith.subf %add3A_56, %sub3A_86 : vector<10000x128xf32>
    %add3A_88 = arith.constant 9.99999974E-6 : f32
    %add3A_89 = vector.broadcast %add3A_88 : f32 to vector<1x128xf32>
    %add3A_90 = arith.addf %select_n3A_85, %add3A_89 : vector<1x128xf32>
    %sqrt3A_91 = math.sqrt %add3A_90 : vector<1x128xf32>
    %div3A_92 = vector.broadcast %sqrt3A_91 : vector<1x128xf32> to vector<10000x128xf32>
    %div3A_93 = arith.divf %sub3A_87, %div3A_92 : vector<10000x128xf32>
    %ge3A = arith.constant 0.000000e+00 : f32
    %ge3A_94 = vector.broadcast %ge3A : f32 to vector<10000x128xf32>
    %ge3A_95 = arith.cmpf oge, %div3A_93, %ge3A_94 : vector<10000x128xf32>
    %mul3A = arith.constant 2.000000e-01 : f32
    %mul3A_96 = vector.broadcast %mul3A : f32 to vector<10000x128xf32>
    %mul3A_97 = arith.mulf %mul3A_96, %div3A_93 : vector<10000x128xf32>
    %select_n3A_98 = arith.select %ge3A_95, %div3A_93, %mul3A_97 : vector<10000x128xi1>, vector<10000x128xf32>
    %add3A_99 = arith.addf %select_n3A_98, %max3A_33 : vector<10000x128xf32>
    %get3A_100 = arith.constant 0 : index
    %get3A_101 = arith.constant 0 : index
    %get3A_102 = vector.load %arg4[%get3A_100, %get3A_101] : memref<128x20xf32, #tpu.memory_space<vmem>>, vector<128x20xf32>
    %convert_element_type3A_103 = arith.truncf %add3A_99 : vector<10000x128xf32> to vector<10000x128xbf16>
    %convert_element_type3A_104 = arith.extf %convert_element_type3A_103 : vector<10000x128xbf16> to vector<10000x128xf32>
    %sub3A_105 = arith.subf %add3A_99, %convert_element_type3A_104 : vector<10000x128xf32>
    %convert_element_type3A_106 = arith.truncf %sub3A_105 : vector<10000x128xf32> to vector<10000x128xbf16>
    %convert_element_type3A_107 = arith.truncf %get3A_102 : vector<128x20xf32> to vector<128x20xbf16>
    %convert_element_type3A_108 = arith.extf %convert_element_type3A_107 : vector<128x20xbf16> to vector<128x20xf32>
    %sub3A_109 = arith.subf %get3A_102, %convert_element_type3A_108 : vector<128x20xf32>
    %convert_element_type3A_110 = arith.truncf %sub3A_109 : vector<128x20xf32> to vector<128x20xbf16>
    %dot_general3A_111 = arith.constant dense<0.000000e+00> : vector<10000x20xf32>
    %dot_general3A_112 = tpu.matmul %convert_element_type3A_103, %convert_element_type3A_107, %dot_general3A_111 {dimension_numbers = #tpu.dot_dimension_numbers<[1], [0], [0], [1], [0, 0, 1, 1], [], []>, transpose_lhs_hint = false} : vector<10000x128xbf16>, vector<128x20xbf16>, vector<10000x20xf32> -> vector<10000x20xf32>
    %dot_general3A_113 = arith.constant dense<0.000000e+00> : vector<10000x20xf32>
    %dot_general3A_114 = tpu.matmul %convert_element_type3A_106, %convert_element_type3A_107, %dot_general3A_113 {dimension_numbers = #tpu.dot_dimension_numbers<[1], [0], [0], [1], [0, 0, 1, 1], [], []>, transpose_lhs_hint = false} : vector<10000x128xbf16>, vector<128x20xbf16>, vector<10000x20xf32> -> vector<10000x20xf32>
    %dot_general3A_115 = arith.constant dense<0.000000e+00> : vector<10000x20xf32>
    %dot_general3A_116 = tpu.matmul %convert_element_type3A_103, %convert_element_type3A_110, %dot_general3A_115 {dimension_numbers = #tpu.dot_dimension_numbers<[1], [0], [0], [1], [0, 0, 1, 1], [], []>, transpose_lhs_hint = false} : vector<10000x128xbf16>, vector<128x20xbf16>, vector<10000x20xf32> -> vector<10000x20xf32>
    %add3A_117 = arith.addf %dot_general3A_114, %dot_general3A_116 : vector<10000x20xf32>
    %add3A_118 = arith.addf %dot_general3A_112, %add3A_117 : vector<10000x20xf32>
    %get3A_119 = arith.constant 0 : index
    %get3A_120 = arith.constant 0 : index
    %get3A_121 = vector.load %arg5[%get3A_119, %get3A_120] : memref<1x20xf32, #tpu.memory_space<vmem>>, vector<1x20xf32>
    %add3A_122 = vector.broadcast %get3A_121 : vector<1x20xf32> to vector<10000x20xf32>
    %add3A_123 = arith.addf %add3A_118, %add3A_122 : vector<10000x20xf32>
    %reduce_max3A = arith.constant dense<0xFF800000> : vector<10000xf32>
    %reduce_max3A_124 = vector.multi_reduction <maximumf>, %add3A_123, %reduce_max3A [1] : vector<10000x20xf32> to vector<10000xf32>
    %broadcast_in_dim3A_125 = vector.shape_cast %reduce_max3A_124 : vector<10000xf32> to vector<10000x1xf32>
    %sub3A_126 = vector.broadcast %broadcast_in_dim3A_125 : vector<10000x1xf32> to vector<10000x20xf32>
    %sub3A_127 = arith.subf %add3A_123, %sub3A_126 : vector<10000x20xf32>
    %exp3A = math.exp %sub3A_127 : vector<10000x20xf32>
    %reduce_sum3A_128 = arith.constant dense<0.000000e+00> : vector<10000xf32>
    %reduce_sum3A_129 = vector.multi_reduction <add>, %exp3A, %reduce_sum3A_128 [1] : vector<10000x20xf32> to vector<10000xf32>
    %broadcast_in_dim3A_130 = vector.shape_cast %reduce_sum3A_129 : vector<10000xf32> to vector<10000x1xf32>
    %log3A = math.log %broadcast_in_dim3A_130 : vector<10000x1xf32>
    %add3A_131 = arith.addf %log3A, %broadcast_in_dim3A_125 : vector<10000x1xf32>
    %get3A_132 = arith.constant 0 : index
    %get3A_133 = arith.constant 0 : index
    %get3A_134 = vector.load %arg6[%get3A_132, %get3A_133] : memref<10000x20xf32, #tpu.memory_space<vmem>>, vector<10000x20xf32>
    %sub3A_135 = vector.broadcast %add3A_131 : vector<10000x1xf32> to vector<10000x20xf32>
    %sub3A_136 = arith.subf %sub3A_135, %add3A_123 : vector<10000x20xf32>
    %mul3A_137 = arith.mulf %get3A_134, %sub3A_136 : vector<10000x20xf32>
    %reduce_sum3A_138 = vector.shape_cast %mul3A_137 : vector<10000x20xf32> to vector<1x10000x20xf32>
    %reduce_sum3A_139 = arith.constant dense<0.000000e+00> : vector<1xf32>
    %reduce_sum3A_140 = vector.multi_reduction <add>, %reduce_sum3A_138, %reduce_sum3A_139 [1, 2] : vector<1x10000x20xf32> to vector<1xf32>
    %reduce_sum3A_141 = vector.shape_cast %reduce_sum3A_140 : vector<1xf32> to vector<1x1x1xf32>
    %reduce_sum3A_142 = vector.extract %reduce_sum3A_141[0, 0, 0] : f32 from vector<1x1x1xf32>
    %reduce_sum3A_143 = vector.shape_cast %get3A_134 : vector<10000x20xf32> to vector<1x10000x20xf32>
    %reduce_sum3A_144 = arith.constant dense<0.000000e+00> : vector<1xf32>
    %reduce_sum3A_145 = vector.multi_reduction <add>, %reduce_sum3A_143, %reduce_sum3A_144 [1, 2] : vector<1x10000x20xf32> to vector<1xf32>
    %reduce_sum3A_146 = vector.shape_cast %reduce_sum3A_145 : vector<1xf32> to vector<1x1x1xf32>
    %reduce_sum3A_147 = vector.extract %reduce_sum3A_146[0, 0, 0] : f32 from vector<1x1x1xf32>
    %max3A_148 = arith.constant 9.99999974E-6 : f32
    %max3A_149 = arith.maximumf %reduce_sum3A_147, %max3A_148 : f32
    %div3A_150 = arith.divf %reduce_sum3A_142, %max3A_149 : f32
    %swap3A = arith.constant 0 : index
    %swap3A_151 = arith.constant 0 : index
    %swap3A_152 = vector.load %arg7[%swap3A, %swap3A_151] : memref<10000x20xf32, #tpu.memory_space<vmem>>, vector<10000x20xf32>
    tpu.vector_store %arg7[%swap3A, %swap3A_151], %add3A_123 {strides = array<i32>} : memref<10000x20xf32, #tpu.memory_space<vmem>>, vector<10000x20xf32>,
    %swap3A_153 = arith.constant 0 : index
    %swap3A_154 = arith.constant 0 : index
    %swap3A_155 = vector.load %arg8[%swap3A_153, %swap3A_154] : memref<10000x128xf32, #tpu.memory_space<vmem>>, vector<10000x128xf32>
    tpu.vector_store %arg8[%swap3A_153, %swap3A_154], %select_n3A_98 {strides = array<i32>} : memref<10000x128xf32, #tpu.memory_space<vmem>>, vector<10000x128xf32>,
    %reshape3A = vector.broadcast %div3A_150 : f32 to vector<1x1xf32>
    %swap3A_156 = arith.constant 0 : index
    %swap3A_157 = arith.constant 0 : index
    %swap3A_158 = vector.load %arg9[%swap3A_156, %swap3A_157] : memref<1x1xf32, #tpu.memory_space<vmem>>, vector<1x1xf32>
    tpu.vector_store %arg9[%swap3A_156, %swap3A_157], %reshape3A {strides = array<i32>} : memref<1x1xf32, #tpu.memory_space<vmem>>, vector<1x1xf32>,
    return
  }
}

</mosaic_0001>

<sc_bundles>
// kernel: kernel.12.cloned.1.call-start
scs
__scs_entry_jumppad:
0x0: {  	(pc) =	sbr.rel $0x88, $3  }
0x1: {  	(tag) =	ssettag $0x0;
	lr =	simm.s32 $0x1  }
0x2: {  	[smem:$0x3F93] =	sst lr;
	_ =	strace $0xD0000000  }
0x3: {  	_ = 	snop  }
0x4: {  	_ = 	snop  }
0x5: {  	_ = 	snop  }
0x6: {  	_ = 	snop  }
0x7: {  	_ = 	snop  }
__scs_overlays_trampoline_lowered:
0x8: {  	[smem:$0x3FA2] =	sst s0  }
0x9: {  	[smem:$0x3FA3] =	sst s1  }
0xa: {  	[smem:$0x3FA4] =	sst s2  }
0xb: {  	[smem:$0x3FA5] =	sst s3  }
0xc: {  	[smem:$0x3FA6] =	sst s4  }
0xd: {  	[smem:$0x3FA7] =	sst s5  }
0xe: {  	[smem:$0x3FA8] =	sst s6  }
0xf: {  	[smem:$0x3FA9] =	sst s7  }
0x10: {  	[smem:$0x3FAA] =	sst s8  }
0x11: {  	[smem:$0x3FAB] =	sst s9;
	s0 =	simm.s32 @!p0 $0x0  }
0x12: {  	s1 =	sld [smem:$0x3F91];
	s0 =	simm.s32 @p0 $0x1  }
0x13: {  	[smem:$0x3FAC] =	sst s0;
	s0 =	simm.s32 @!p1 $0x0  }
0x14: {  	s2 =	sld [smem:$0x3F90];
	s0 =	simm.s32 @p1 $0x1  }
0x15: {  	[smem:$0x3FAD] =	sst s0;
	s0 =	simm.s32 @!p2 $0x0  }
0x16: {  	s3 =	sld [smem:$0x3FDB];
	s0 =	simm.s32 @p2 $0x1  }
0x17: {  	s4 =	simm.s32 $0x1BF5;
	[smem:$0x3FAF] =	sst s0  }
0x18: {  	s0 =	sld [smem:$0x3F92];
	_ =	swait.ge [sflag:s4], $0x0  }
0x19: {  	s7 =	sld [smem:$0x3F93]  }
0x1a: {  	s8 =	sadd.s32 $0xFFFFE003, lr  }
0x1b: {  	s9 =	sadd.s32 $0xFFFFFEF7, lr;
	s5 =	simm.s32 $0xFFFFFFFF;
	p2 =	slt.u32 s8, $0xFFFFF086  }
0x1c: {  	p1 =	slt.u32 s9, $0xF7A;
	s5 =	simm.s32 @!p2 $0x0  }
0x1d: {  	s5 =	simm.s32 @p1 $0x1;
	p0 =	seq.s32 s7, s2  }
0x1e: {  	s7 =	smul.u32 @!p0 $0xF7A, s2;
	p2 =	seq.s32 @!p0 s5, $0x0  }
0x1f: {  	s9 =	smul.u32 $0xF7A, s1;
	s8 =	simm.s32 @!p0 $0x1BF5;
	p2 =	por !p2, p0  }
0x20: {  	[sflag:s8] =	ssyncset.s32 @!p0 $0xFFFFF086;
	s6 =	sadd.s32 @!p0 s3, s7;
	s7 =	simm.s32 @!p0 $0x108  }
0x21: {  	s3 =	sadd.s32 s3, s9;
	s6 =	sadd.s32 @!p0 $0x88, s6;
	s7 =	simm.s32 @p2 $0x1082  }
0x22: {  	[simem:s7], [sflag:s8] =	dma.local @!p0 [hbm:s6], $0xF7A  }
0x23: {  	s9 =	sor.u32 $0xD0000000, s2;
	s6 =	simm.s32 $0x108;
	_ =	swait.ge @!p0 [sflag:s8], $0x0  }
0x24: {  	s3 =	sadd.s32 $0x88, s3;
	s6 =	simm.s32 @!p1 $0x1082;
	[sflag:s4] =	ssyncset.s32 $0xFFFFF086  }
0x25: {  	[simem:s6], [sflag:s4] =	dma.local [hbm:s3], $0xF7A  }
0x26: {  	[smem:$0x3F93] =	sst s1;
	(tag) =	ssettag s2;
	_ =	strace s9  }
0x27: {  	s1 =	sld [smem:$0x3FA3]  }
0x28: {  	s2 =	sld [smem:$0x3FA4]  }
0x29: {  	s4 =	sld [smem:$0x3FA6]  }
0x2a: {  	p0 =	seq.s32 s5, $0x0;
	s5 =	sld [smem:$0x3FA7]  }
0x2b: {  	s6 =	sld [smem:$0x3FA8]  }
0x2c: {  	s7 =	sld [smem:$0x3FA9]  }
0x2d: {  	s3 =	simm.s32 $0x108;
	s8 =	sld [smem:$0x3FAA]  }
0x2e: {  	s3 =	simm.s32 @!p0 $0x1082;
	s9 =	sld [smem:$0x3FAB]  }
0x2f: {  	lr =	sadd.s32 s0, s3;
	s0 =	sld [smem:$0x3FA2]  }
0x30: {  	s3 =	sld [smem:$0x3FA5]  }
0x31: {  	[smem:$0x3FAE] =	sst s10  }
0x32: {  	s10 =	sld [smem:$0x3FAC];
	_ =	sdelay $0x3  }
0x33: {  	p0 =	seq.s32 s10, $0x1;
	s10 =	sld [smem:$0x3FAE];
	_ =	sdelay $0x3  }
0x34: {  	[smem:$0x3FAE] =	sst s10  }
0x35: {  	s10 =	sld [smem:$0x3FAD];
	_ =	sdelay $0x3  }
0x36: {  	p1 =	seq.s32 s10, $0x1;
	s10 =	sld [smem:$0x3FAE];
	_ =	sdelay $0x3  }
0x37: {  	[smem:$0x3FAE] =	sst s10  }
0x38: {  	s10 =	sld [smem:$0x3FAF]  }
0x39: {  	_ = 	snop;
	(pc) =	sbr.ind lr, $3  }
0x3a: {  	_ = 	snop  }
0x3b: {  	_ = 	snop  }
0x3c: {  	p2 =	seq.s32 s10, $0x1;
	s10 =	sld [smem:$0x3FAE]  }
0x3d: {  	_ =	shalt  }
0x3e: {  	_ =	shalt  }
0x3f: {  	_ =	shalt  }
0x40: {  	_ =	shalt  }
0x41: {  	_ =	shalt  }
0x42: {  	_ =	shalt  }
0x43: {  	_ =	shalt  }
0x44: {  	_ =	shalt  }
0x45: {  	_ =	shalt  }
0x46: {  	_ =	shalt  }
0x47: {  	_ =	shalt  }
0x48: {  	_ =	shalt  }
0x49: {  	_ =	shalt  }
0x4a: {  	_ =	shalt  }
0x4b: {  	_ =	shalt  }
0x4c: {  	_ =	shalt  }
0x4d: {  	_ =	shalt  }
0x4e: {  	_ =	shalt  }
0x4f: {  	_ =	shalt  }
0x50: {  	_ =	shalt  }
0x51: {  	_ =	shalt  }
0x52: {  	_ =	shalt  }
0x53: {  	_ =	shalt  }
0x54: {  	_ =	shalt  }
0x55: {  	_ =	shalt  }
0x56: {  	_ =	shalt  }
0x57: {  	_ =	shalt  }
0x58: {  	_ =	shalt  }
0x59: {  	_ =	shalt  }
0x5a: {  	_ =	shalt  }
0x5b: {  	_ =	shalt  }
0x5c: {  	_ =	shalt  }
0x5d: {  	_ =	shalt  }
0x5e: {  	_ =	shalt  }
0x5f: {  	_ =	shalt  }
0x60: {  	_ =	shalt  }
0x61: {  	_ =	shalt  }
0x62: {  	_ =	shalt  }
0x63: {  	_ =	shalt  }
0x64: {  	_ =	shalt  }
0x65: {  	_ =	shalt  }
0x66: {  	_ =	shalt  }
0x67: {  	_ =	shalt  }
0x68: {  	_ =	shalt  }
0x69: {  	_ =	shalt  }
0x6a: {  	_ =	shalt  }
0x6b: {  	_ =	shalt  }
0x6c: {  	_ =	shalt  }
0x6d: {  	_ =	shalt  }
0x6e: {  	_ =	shalt  }
0x6f: {  	_ =	shalt  }
0x70: {  	_ =	shalt  }
0x71: {  	_ =	shalt  }
0x72: {  	_ =	shalt  }
0x73: {  	_ =	shalt  }
0x74: {  	_ =	shalt  }
0x75: {  	_ =	shalt  }
0x76: {  	_ =	shalt  }
0x77: {  	_ =	shalt  }
0x78: {  	_ =	shalt  }
0x79: {  	_ =	shalt  }
0x7a: {  	_ =	shalt  }
0x7b: {  	_ =	shalt  }
0x7c: {  	_ =	shalt  }
0x7d: {  	_ =	shalt  }
0x7e: {  	_ =	shalt  }
0x7f: {  	_ =	shalt  }
0x80: {  	_ =	shalt  }
0x81: {  	_ =	shalt  }
0x82: {  	_ =	shalt  }
0x83: {  	_ =	shalt  }
0x84: {  	_ =	shalt  }
0x85: {  	_ =	shalt  }
0x86: {  	_ =	shalt  }
0x87: {  	_ =	shalt  }
.Lfunc_end0:
.L_simem_size_0:
called_computation.1_lowered:
.L_overlay_start_0:
0x88: {  	s2 =	sld [smem:$0x3FD9]  }
0x89: {  	s3 =	sld [smem:$0x3FFE];
	_ =	sdelay $0x1  }
0x8a: {  	s1 =	srdreg.scid  }
0x8b: {  	s0 =	sand.u32 $0x1, s1  }
0x8c: {  	s14 =	sshll.u32 s0, $0xA;
	s2 =	sadd.s32 s3, s2  }
0x8d: {  	s2 =	sadd.s32 s2, s14  }
0x8e: {  	[smem:$0x3FBA] =	sst s2  }
0x8f: {  	_ = 	snop  }
0x90: {  	s2 =	sld [smem:$0x3FD0];
	_ =	sdelay $0x2  }
0x91: {  	s15 =	simm.s32 $0xA;
	s4 =	simm.s32 $0x10  }
0x92: {  	[smem:s4], [sflag:s15] =	dma.local [hbm:s2], $0x1  }
0x93: {  	_ =	swait.eq [sflag:s15], $0x1  }
0x94: {  	[sflag:s15] =	ssyncset.done $0x0  }
0x95: {  	[sflag:s15] =	ssyncadd.s32 $0xFFFFFFFF  }
0x96: {  	s16 =	sld [smem:$0x11];
	(tm) =	ssettm $0x1  }
0x97: {  	s17 =	sld [smem:$0x3FFB];
	_ =	sdelay $0x3  }
0x98: {  	_ =	strace s17  }
0x99: {  	s3 =	sld [smem:$0x3FFC];
	_ =	sdelay $0x3  }
0x9a: {  	_ =	strace s3  }
0x9b: {  	s3 =	sld [smem:$0x3FFD];
	_ =	sdelay $0x3  }
0x9c: {  	_ =	strace s3  }
0x9d: {  	_ =	strace $0x8FFFFFFF  }
0x9e: {  	s18 =	sld [smem:$0x3FDB];
	_ =	sdelay $0x1  }
0x9f: {  	s19 =	simm.s32 $_scs_section_size  }
0xa0: {  	s5 =	simm.s32 $_size__tile_overlayer_lowered;
	s6 =	simm.s32 $_tile_overlayer_lowered  }
0xa1: {  	s22 =	simm.s32 $0x1BFF;
	s21 =	sshll.u32 s6, $0x1;
	s3 =	sadd.s32 s19, s18  }
0xa2: {  	s7 =	simm.s32 $0x0;
	s20 =	sshll.u32 s5, $0x1;
	s5 =	sadd.s32 s21, s3  }
0xa3: {  	[timem:s7], [sflag:s22] =	dma.local [hbm:s5], s20  }
0xa4: {  	_ =	swait.ge [sflag:s22], s20  }
0xa5: {  	s4 =	ssub.s32 $0x0, s20;
	[sflag:s22] =	ssyncset.done $0x0  }
0xa6: {  	[sflag:s22] =	ssyncadd.s32 s4;
	_ =	sdelay $0x1  }
0xa7: {  	s23 =	simm.s32 $0x1B8B  }
0xa8: {  	_ =	swait.ge [sflag:s23], $0x1  }
0xa9: {  	[sflag:s23] =	ssyncset.done $0x0  }
0xaa: {  	s25 =	simm.s32 $0x1B8E;
	s24 =	sld [smem:$0x3FFE];
	[sflag:s23] =	ssyncadd.s32 $0xFFFFFFFF  }
0xab: {  	s26 =	simm.s32 $execute0_lowered;
	[smem:$0x3FD2] =	sst s25  }
0xac: {  	s5 =	sshll.u32 s26, $0x1;
	_ =	strace $0x80000049;
	[dreg:$0x1] =	wrdreg $0xFFFFFFFF  }
0xad: {  	s28 =	simm.s32 $_size_execute0_lowered;
	s3 =	sadd.s32 s3, s5;
	[dreg:$0x0] =	wrdreg $0x0  }
0xae: {  	s5 =	sshll.u32 s28, $0x1;
	[dreg:$0x2] =	wrdreg s3  }
0xaf: {  	[dreg:$0x3] =	wrdreg s5  }
0xb0: {  	[dreg:$0x4] =	wrdreg $0xC0  }
0xb1: {  	_ =	task [dreg:s7], $0x5FFFF  }
0xb2: {  	[dreg:$0x1] =	wrdreg $0xFFFFFFFF  }
0xb3: {  	[dreg:$0x0] =	wrdreg $0x60  }
0xb4: {  	[dreg:$0x2] =	wrdreg s24  }
0xb5: {  	[dreg:$0x3] =	wrdreg s16  }
0xb6: {  	[dreg:$0x4] =	wrdreg $0x9F000  }
0xb7: {  	[dreg:$0x5] =	wrdreg $0x9  }
0xb8: {  	_ =	task.clear_ibuf [dreg:s7], $0x6FFFF;
	_ =	strace $0x90000049  }
0xb9: {  	s29 =	simm.s32 $0x9;
	_ =	strace $0x8000004B  }
0xba: {  	_ =	swait.ge [sflag:s29], $0x1  }
0xbb: {  	[sflag:s29] =	ssyncadd.s32 $0xFFFFFFFF  }
0xbc: {  	_ =	strace $0x9000004B  }
0xbd: {  	_ =	sfence  }
0xbe: {  	s30 =	sld [smem:$0x0];
	_ =	sdelay $0x2  }
0xbf: {  	s31 =	sshll.u32 s1, $0xD;
	s1 =	sshrl.u32 s1, $0x2  }
0xc0: {  	s3 =	sand.u32 $0x4000, s31;
	s1 =	sadd.s32 s1, s30  }
0xc1: {  	s0 =	sor.u32 s3, s0;
	s1 =	sshll.u32 s1, $0x11  }
0xc2: {  	s0 =	sor.u32 s1, s0  }
0xc3: {  	s0 =	sadd.s32 $0x8F2B, s0  }
0xc4: {  	[sflag:s0] =	ssyncadd.remote.s32 $0x1  }
0xc5: {  	_ =	sfence.sel $0xFFFF  }
0xc6: {  	[dreg:$0x0] =	wrdreg $0xFFFFFFFF;
	(pc) =	sbr.abs _section_cstart, $3  }
0xc7: {  	[dreg:$0x1] =	wrdreg $0xFFFFFFFF  }
0xc8: {  	_ =	task.clear_ibuf [dreg:s7], $0x2FFFF;
	_ =	strace $0x9FFFFFFF  }
0xc9: {  	(tm) =	ssettm $0x7FFFFFFF  }
tec
execute0_lowered:
.L_overlay_start_1:
0x0: {  	(tag) =	ssettag $0x1  }
0x1: {  	s9 =	rddreg [dreg:$0x0]  }
0x2: {  	s2 =	rddreg [dreg:$0x1]  }
0x3: {  	s3 =	rddreg [dreg:$0x2]  }
0x4: {  	s0 =	rddreg [dreg:$0x3];
	s4 =	simm.s32 $0x0;
	s1 =	stileid.u32  }
0x5: {  	s7 =	srdreg.scid;
	s17 =	simm.s32 $0x3;
	s18 =	simm.s32 $0x1  }
0x6: {  	s19 =	simm.s32 $0x2;
	s21 =	simm.s32 $0x50;
	s22 =	simm.s32 $0x4F00  }
0x7: {  	s23 =	simm.s32 $0x7700;
	s24 =	simm.s32 $0x4E40;
	s25 =	simm.s32 $0x0  }
0x8: {  	[smem:$0x7FF] =	sst s4;
	s10 =	smul.u32 $0x13800, s1;
	s6 =	sadd.s32 $0x4A00, s9  }
0x9: {  	s7 =	sand.u32 $0x1, s7;
	s8 =	sshrl.u32 s1, $0x2;
	s11 =	sshll.u32 s1, $0x8  }
0xa: {  	s28 =	sadd.s32 $0x66A00, s9;
	s15 =	smul.u32 $0x4E000, s1;
	s31 =	sshll.u32 s1, $0x6  }
0xb: {  	s20 =	sadd.s32 $0x138000, s3;
	p0 =	sne.s32 s1, $0xF;
	_ =	strace $0x8000004A  }
0xc: {  	s8 =	smul.u32 $0x13C00, s8;
	s12 =	sshll.u32 s7, $0x7;
	s11 =	sand.u32 $0x300, s11  }
0xd: {  	s26 =	ssub.s32 $0x2, s7;
	s30 =	smul.u32 $0x138800, s7;
	s20 =	sshrl.u32 @!p0 s20, $0x3  }
0xe: {  	s5 =	sshrl.u32 s10, $0x3;
	s11 =	sor.u32 s12, s11;
	s14 =	sshrl.u32 s26, $0x1  }
0xf: {  	s29 =	sshrl.u32 s15, $0x2;
	s15 =	simm.s32 $0x2780;
	s13 =	sadd.s32 s5, s9  }
0x10: {  	s8 =	sor.u32 s8, s11;
	s14 =	ssub.s32 s26, s14;
	s16 =	sadd.s32 s29, s3  }
0x11: {  	s10 =	sadd.s32 s10, s30;
	s9 =	sadd.s32 $0x3F600, s9;
	s11 =	sshrl.u32 s8, $0x3  }
0x12: {  	s8 =	sadd.s32 $0x4F000, s8;
	s7 =	sadd.s32 $0x18600, s13;
	s10 =	sshrl.u32 s10, $0x3  }
0x13: {  	s12 =	smax.u32 s14, $0x1;
	s13 =	simm.s32 $0x80;
	s14 =	simm.s32 $0x400  }
0x14: {  	s16 =	sshrl.u32 s16, $0x3;
	s5 =	sadd.s32 s6, s11;
	s11 =	sshrl.u32 s30, $0x3  }
0x15: {  	s8 =	sshrl.u32 s8, $0x3;
	s10 =	sadd.s32 s28, s10;
	s11 =	sadd.s32 s28, s11  }
0x16: {  	s6 =	sadd.s32 s6, s8;
	s8 =	sor.u32 $0x1C03, s31;
	s11 =	sadd.s32 $0x27000, s11  }
.LBB2_1:
0x17: {  	[tilespmem:s4], [sflag:$0x1] =	stream.strided.gather [hbm4b:s5+s13], $0x2780, s14, s13, $0x38;
	[tilespmem:$0x1D780] =	vst v63  }
0x18: {  	_ = 	snop  }
0x19: {  	[tilespmem:s15], [sflag:$0x2] =	stream.strided.gather [hbm4b:s6+s13], $0x2780, s14, s13, $0x38;
	[tilespmem:$0x1D780] =	vst v63  }
0x1a: {  	[spmem:s16], [sflag:s8] =	dma.local [hbm:s7], $0x2700  }
0x1b: {  	_ =	swait.ge [sflag:s17], $0x2700  }
0x1c: {  	[sflag:s17] =	ssyncset.done $0x0  }
0x1d: {  	[sflag:s17] =	ssyncadd.s32 $0xFFFFD900  }
0x1e: {  	_ =	swait.ge [sflag:s18], $0x2780  }
0x1f: {  	[sflag:s18] =	ssyncset.done $0x0  }
0x20: {  	[sflag:s18] =	ssyncadd.s32 $0xFFFFD880  }
0x21: {  	_ =	swait.ge [sflag:s19], $0x2780  }
0x22: {  	[sflag:s19] =	ssyncset.done $0x0  }
0x23: {  	s26 =	simm.s32 @!p0 $0x3;
	[sflag:s19] =	ssyncadd.s32 $0xFFFFD880  }
0x24: {  	[spmem:s20], [sflag:s8] =	dma.local @!p0 [hbm:s9], $0x100  }
0x25: {  	_ =	swait.ge @!p0 [sflag:s26], $0x100  }
0x26: {  	[sflag:s26] =	ssyncset.done @!p0 $0x0  }
0x27: {  	[sflag:s26] =	ssyncadd.s32 @!p0 $0xFFFFFF00  }
0x28: {  	[bflag:$0x0] =	sbarrier.arrive $0xFFFF  }
0x29: {  	[tilespmem:s22], [sflag:$0x1] =	stream.indirect.gather [hbm4b:s2+s21], $0x80, s4, s21, $0xb8;
	[tilespmem:$0x1D780] =	vst v63  }
0x2a: {  	s31 =	simm.s32 $0x50  }
0x2b: {  	[tilespmem:s23], [sflag:$0x2] =	stream.indirect.gather [hbm4b:s2+s21], $0x80, s31, s21, $0xb8;
	[tilespmem:$0x1D780] =	vst v63  }
0x2c: {  	_ =	swait.ge [sflag:s18], $0x2800  }
0x2d: {  	[sflag:s18] =	ssyncset.done $0x0  }
0x2e: {  	s29 =	simm.s32 $0x2780;
	[sflag:s18] =	ssyncadd.s32 $0xFFFFD800  }
0x2f: {  	[spmem:s3] =	stream.indirect.scatter.add.f32 [tilespmem:s22], [sflag:$0x3], $0x80, s29, s21, $0xb8;
	[tilespmem:$0x1D780] =	vst v63  }
0x30: {  	_ =	swait.ge [sflag:s17], $0x2800  }
0x31: {  	[sflag:s17] =	ssyncset.done $0x0  }
0x32: {  	s30 =	simm.s32 $0xA0;
	[sflag:s17] =	ssyncadd.s32 $0xFFFFD800  }
0x33: {  	[tilespmem:s22], [sflag:$0x1] =	stream.indirect.gather [hbm4b:s2+s21], $0x80, s30, s21, $0xb8;
	[tilespmem:$0x1D780] =	vst v63  }
0x34: {  	_ =	swait.ge [sflag:s19], $0x2800  }
0x35: {  	[sflag:s19] =	ssyncset.done $0x0  }
0x36: {  	s31 =	simm.s32 $0x27D0;
	[sflag:s19] =	ssyncadd.s32 $0xFFFFD800  }
0x37: {  	[spmem:s3] =	stream.indirect.scatter.add.f32 [tilespmem:s23], [sflag:$0x3], $0x80, s31, s21, $0xb8;
	[tilespmem:$0x1D780] =	vst v63  }
0x38: {  	_ =	swait.ge [sflag:s17], $0x2800  }
0x39: {  	s28 =	simm.s32 $0x500;
	s26 =	simm.s32 $0xA0;
	[sflag:s17] =	ssyncset.done $0x0  }
.LBB2_2:
0x3a: {  	s29 =	sadd.s32 $0x50, s26  }
0x3b: {  	[sflag:s17] =	ssyncadd.s32 $0xFFFFD800;
	s30 =	smov.u32 s28;
	s31 =	sadd.s32 $0x280, s28  }
0x3c: {  	[tilespmem:s23], [sflag:$0x2] =	stream.indirect.gather [hbm4b:s2+s21], $0x80, s29, s21, $0xb8;
	[tilespmem:$0x1D780] =	vst v63  }
0x3d: {  	p1 =	sne.s32 s28, $0x9880;
	_ =	swait.ge [sflag:s18], $0x2800  }
0x3e: {  	[sflag:s18] =	ssyncset.done $0x0  }
0x3f: {  	s28 =	sadd.s32 $0x2780, s26;
	[sflag:s18] =	ssyncadd.s32 $0xFFFFD800  }
0x40: {  	[spmem:s3] =	stream.indirect.scatter.add.f32 [tilespmem:s22], [sflag:$0x3], $0x80, s28, s21, $0xb8;
	[tilespmem:$0x1D780] =	vst v63  }
0x41: {  	_ =	swait.ge [sflag:s17], $0x2800  }
0x42: {  	[sflag:s17] =	ssyncset.done $0x0  }
0x43: {  	s28 =	sadd.s32 $0xA0, s26;
	[sflag:s17] =	ssyncadd.s32 $0xFFFFD800  }
0x44: {  	[tilespmem:s22], [sflag:$0x1] =	stream.indirect.gather [hbm4b:s2+s21], $0x80, s28, s21, $0xb8;
	[tilespmem:$0x1D780] =	vst v63  }
0x45: {  	_ =	swait.ge [sflag:s19], $0x2800  }
.Ltmp0:
0x46: {  	[sflag:s19] =	ssyncset.done $0x0;
	(pc) =	sbr.rel @p1 .LBB2_2-.Ltmp0, $4  }
0x47: {  	s26 =	sadd.s32 $0x27D0, s26;
	[sflag:s19] =	ssyncadd.s32 $0xFFFFD800  }
0x48: {  	[spmem:s3] =	stream.indirect.scatter.add.f32 [tilespmem:s23], [sflag:$0x3], $0x80, s26, s21, $0xb8;
	[tilespmem:$0x1D780] =	vst v63  }
0x49: {  	_ =	swait.ge [sflag:s17], $0x2800  }
0x4a: {  	s28 =	smov.u32 s31;
	s26 =	sshra.s32 s30, $0x2;
	[sflag:s17] =	ssyncset.done $0x0  }
0x4b: {  	s28 =	sadd.s32 $0x50, s26;
	[sflag:s17] =	ssyncadd.s32 $0xFFFFD800  }
0x4c: {  	[tilespmem:s23], [sflag:$0x2] =	stream.indirect.gather [hbm4b:s2+s21], $0x80, s28, s21, $0xb8;
	[tilespmem:$0x1D780] =	vst v63  }
0x4d: {  	_ =	swait.ge [sflag:s18], $0x2800  }
0x4e: {  	[sflag:s18] =	ssyncset.done $0x0  }
0x4f: {  	s29 =	sadd.s32 $0x2780, s26;
	[sflag:s18] =	ssyncadd.s32 $0xFFFFD800  }
0x50: {  	[spmem:s3] =	stream.indirect.scatter.add.f32 [tilespmem:s22], [sflag:$0x3], $0x80, s29, s21, $0xb8;
	[tilespmem:$0x1D780] =	vst v63  }
0x51: {  	_ =	swait.ge [sflag:s17], $0x2800  }
0x52: {  	[sflag:s17] =	ssyncset.done $0x0  }
0x53: {  	s30 =	sadd.s32 $0xA0, s26;
	[sflag:s17] =	ssyncadd.s32 $0xFFFFD800  }
0x54: {  	[tilespmem:s22], [sflag:$0x1] =	stream.indirect.gather [hbm4b:s2+s21], $0x80, s30, s21, $0xb8;
	[tilespmem:$0x1D780] =	vst v63  }
0x55: {  	_ =	swait.ge [sflag:s19], $0x2800  }
0x56: {  	[sflag:s19] =	ssyncset.done $0x0  }
0x57: {  	s31 =	sadd.s32 $0x27D0, s26;
	[sflag:s19] =	ssyncadd.s32 $0xFFFFD800  }
0x58: {  	[spmem:s3] =	stream.indirect.scatter.add.f32 [tilespmem:s23], [sflag:$0x3], $0x80, s31, s21, $0xb8;
	[tilespmem:$0x1D780] =	vst v63  }
0x59: {  	_ =	swait.ge [sflag:s17], $0x2800  }
0x5a: {  	[sflag:s17] =	ssyncset.done $0x0  }
0x5b: {  	[sflag:s17] =	ssyncadd.s32 $0xFFFFD800  }
0x5c: {  	_ =	swait.ge [sflag:s18], $0x2800  }
0x5d: {  	[sflag:s18] =	ssyncset.done $0x0  }
0x5e: {  	[sflag:s18] =	ssyncadd.s32 $0xFFFFD800  }
0x5f: {  	[spmem:s3] =	stream.indirect.scatter.add.f32 [tilespmem:s22], [sflag:$0x3], $0x80, s24, s21, $0xb8;
	[tilespmem:$0x1D780] =	vst v63  }
0x60: {  	_ =	swait.ge [sflag:s17], $0x2800  }
0x61: {  	[sflag:s17] =	ssyncset.done $0x0  }
0x62: {  	[sflag:s17] =	ssyncadd.s32 $0xFFFFD800  }
0x63: {  	[bflag:$0x0] =	sbarrier.arrive $0xFFFF  }
0x64: {  	[hbm:s10], [sflag:s8] =	dma.local [spmem:s16], $0x2700  }
0x65: {  	s25 =	sadd.s32 $0x1, s25;
	_ =	swait.ge [sflag:s17], $0x2700  }
0x66: {  	p1 =	sne.s32 s25, s12;
	[sflag:s17] =	ssyncset.done $0x0  }
.Ltmp1:
0x67: {  	s26 =	simm.s32 @!p0 $0x3;
	[sflag:s17] =	ssyncadd.s32 $0xFFFFD900;
	(pc) =	sbr.rel @p1 .LBB2_1-.Ltmp1, $4  }
0x68: {  	[hbm:s11], [sflag:s8] =	dma.local @!p0 [spmem:s20], $0x100  }
0x69: {  	_ =	swait.ge @!p0 [sflag:s26], $0x100  }
0x6a: {  	[sflag:s26] =	ssyncset.done @!p0 $0x0  }
0x6b: {  	[sflag:s26] =	ssyncadd.s32 @!p0 $0xFFFFFF00  }
0x6c: {  	_ =	sfence.sel $0x180000  }
0x6d: {  	[bflag:$0x0] =	sbarrier.arrive $0xFFFF  }
0x6e: {  	p0 =	sne.s32 s1, $0x0;
	_ =	strace $0x9000004A  }
0x6f: {  	s0 =	sadd.s32 @!p0 $0x100000, s0;
	[bflag:$0x2] =	sbarrier.arrive $0xFFFF  }
0x70: {  	[sflag:s0] =	ssyncadd.tile.s32 @!p0 $0x1;
	_ =	shalt  }
.Lfunc_end2:
_tile_overlayer_lowered:
.L_overlay_start_2:
0x71: {  	(tag) =	ssettag $0x2  }
0x72: {  	s0 =	rddreg [dreg:$0x0];
	s2 =	stileid.u32  }
0x73: {  	s1 =	rddreg [dreg:$0x1];
	p0 =	sne.s32 s2, $0x0  }
0x74: {  	s3 =	rddreg [dreg:$0x2];
	[bflag:$0x3] =	sbarrier.arrive $0xFFFF;
	s2 =	simm.s32 @!p0 $0x1C03  }
0x75: {  	[timem:s3], [sflag:s2] =	dma.local @!p0 [hbm:s0], s1  }
0x76: {  	s0 =	simm.s32 @!p0 $0x3  }
0x77: {  	_ =	swait.ge @!p0 [sflag:s0], s1  }
0x78: {  	s1 =	ssub.s32 @!p0 $0x0, s1;
	[sflag:s0] =	ssyncset.done @!p0 $0x0  }
0x79: {  	[sflag:s0] =	ssyncadd.s32 @!p0 s1  }
0x7a: {  	[bflag:$0x3] =	sbarrier.arrive $0xFFFF  }
0x7b: {  	_ =	shalt  }

// kernel: kernel.15.cloned.1.call-start
scs
__scs_entry_jumppad:
0x0: {  	(pc) =	sbr.rel $0x88, $3  }
0x1: {  	(tag) =	ssettag $0x0;
	lr =	simm.s32 $0x1  }
0x2: {  	[smem:$0x3F93] =	sst lr;
	_ =	strace $0xD0000000  }
0x3: {  	_ = 	snop  }
0x4: {  	_ = 	snop  }
0x5: {  	_ = 	snop  }
0x6: {  	_ = 	snop  }
0x7: {  	_ = 	snop  }
__scs_overlays_trampoline_lowered:
0x8: {  	[smem:$0x3FA2] =	sst s0  }
0x9: {  	[smem:$0x3FA3] =	sst s1  }
0xa: {  	[smem:$0x3FA4] =	sst s2  }
0xb: {  	[smem:$0x3FA5] =	sst s3  }
0xc: {  	[smem:$0x3FA6] =	sst s4  }
0xd: {  	[smem:$0x3FA7] =	sst s5  }
0xe: {  	[smem:$0x3FA8] =	sst s6  }
0xf: {  	[smem:$0x3FA9] =	sst s7  }
0x10: {  	[smem:$0x3FAA] =	sst s8  }
0x11: {  	[smem:$0x3FAB] =	sst s9;
	s0 =	simm.s32 @!p0 $0x0  }
0x12: {  	s1 =	sld [smem:$0x3F91];
	s0 =	simm.s32 @p0 $0x1  }
0x13: {  	[smem:$0x3FAC] =	sst s0;
	s0 =	simm.s32 @!p1 $0x0  }
0x14: {  	s2 =	sld [smem:$0x3F90];
	s0 =	simm.s32 @p1 $0x1  }
0x15: {  	[smem:$0x3FAD] =	sst s0;
	s0 =	simm.s32 @!p2 $0x0  }
0x16: {  	s3 =	sld [smem:$0x3FDB];
	s0 =	simm.s32 @p2 $0x1  }
0x17: {  	s4 =	simm.s32 $0x1BF5;
	[smem:$0x3FAF] =	sst s0  }
0x18: {  	s0 =	sld [smem:$0x3F92];
	_ =	swait.ge [sflag:s4], $0x0  }
0x19: {  	s7 =	sld [smem:$0x3F93]  }
0x1a: {  	s8 =	sadd.s32 $0xFFFFE003, lr  }
0x1b: {  	s9 =	sadd.s32 $0xFFFFFEF7, lr;
	s5 =	simm.s32 $0xFFFFFFFF;
	p2 =	slt.u32 s8, $0xFFFFF086  }
0x1c: {  	p1 =	slt.u32 s9, $0xF7A;
	s5 =	simm.s32 @!p2 $0x0  }
0x1d: {  	s5 =	simm.s32 @p1 $0x1;
	p0 =	seq.s32 s7, s2  }
0x1e: {  	s7 =	smul.u32 @!p0 $0xF7A, s2;
	p2 =	seq.s32 @!p0 s5, $0x0  }
0x1f: {  	s9 =	smul.u32 $0xF7A, s1;
	s8 =	simm.s32 @!p0 $0x1BF5;
	p2 =	por !p2, p0  }
0x20: {  	[sflag:s8] =	ssyncset.s32 @!p0 $0xFFFFF086;
	s6 =	sadd.s32 @!p0 s3, s7;
	s7 =	simm.s32 @!p0 $0x108  }
0x21: {  	s3 =	sadd.s32 s3, s9;
	s6 =	sadd.s32 @!p0 $0x88, s6;
	s7 =	simm.s32 @p2 $0x1082  }
0x22: {  	[simem:s7], [sflag:s8] =	dma.local @!p0 [hbm:s6], $0xF7A  }
0x23: {  	s9 =	sor.u32 $0xD0000000, s2;
	s6 =	simm.s32 $0x108;
	_ =	swait.ge @!p0 [sflag:s8], $0x0  }
0x24: {  	s3 =	sadd.s32 $0x88, s3;
	s6 =	simm.s32 @!p1 $0x1082;
	[sflag:s4] =	ssyncset.s32 $0xFFFFF086  }
0x25: {  	[simem:s6], [sflag:s4] =	dma.local [hbm:s3], $0xF7A  }
0x26: {  	[smem:$0x3F93] =	sst s1;
	(tag) =	ssettag s2;
	_ =	strace s9  }
0x27: {  	s1 =	sld [smem:$0x3FA3]  }
0x28: {  	s2 =	sld [smem:$0x3FA4]  }
0x29: {  	s4 =	sld [smem:$0x3FA6]  }
0x2a: {  	p0 =	seq.s32 s5, $0x0;
	s5 =	sld [smem:$0x3FA7]  }
0x2b: {  	s6 =	sld [smem:$0x3FA8]  }
0x2c: {  	s7 =	sld [smem:$0x3FA9]  }
0x2d: {  	s3 =	simm.s32 $0x108;
	s8 =	sld [smem:$0x3FAA]  }
0x2e: {  	s3 =	simm.s32 @!p0 $0x1082;
	s9 =	sld [smem:$0x3FAB]  }
0x2f: {  	lr =	sadd.s32 s0, s3;
	s0 =	sld [smem:$0x3FA2]  }
0x30: {  	s3 =	sld [smem:$0x3FA5]  }
0x31: {  	[smem:$0x3FAE] =	sst s10  }
0x32: {  	s10 =	sld [smem:$0x3FAC];
	_ =	sdelay $0x3  }
0x33: {  	p0 =	seq.s32 s10, $0x1;
	s10 =	sld [smem:$0x3FAE];
	_ =	sdelay $0x3  }
0x34: {  	[smem:$0x3FAE] =	sst s10  }
0x35: {  	s10 =	sld [smem:$0x3FAD];
	_ =	sdelay $0x3  }
0x36: {  	p1 =	seq.s32 s10, $0x1;
	s10 =	sld [smem:$0x3FAE];
	_ =	sdelay $0x3  }
0x37: {  	[smem:$0x3FAE] =	sst s10  }
0x38: {  	s10 =	sld [smem:$0x3FAF]  }
0x39: {  	_ = 	snop;
	(pc) =	sbr.ind lr, $3  }
0x3a: {  	_ = 	snop  }
0x3b: {  	_ = 	snop  }
0x3c: {  	p2 =	seq.s32 s10, $0x1;
	s10 =	sld [smem:$0x3FAE]  }
0x3d: {  	_ =	shalt  }
0x3e: {  	_ =	shalt  }
0x3f: {  	_ =	shalt  }
0x40: {  	_ =	shalt  }
0x41: {  	_ =	shalt  }
0x42: {  	_ =	shalt  }
0x43: {  	_ =	shalt  }
0x44: {  	_ =	shalt  }
0x45: {  	_ =	shalt  }
0x46: {  	_ =	shalt  }
0x47: {  	_ =	shalt  }
0x48: {  	_ =	shalt  }
0x49: {  	_ =	shalt  }
0x4a: {  	_ =	shalt  }
0x4b: {  	_ =	shalt  }
0x4c: {  	_ =	shalt  }
0x4d: {  	_ =	shalt  }
0x4e: {  	_ =	shalt  }
0x4f: {  	_ =	shalt  }
0x50: {  	_ =	shalt  }
0x51: {  	_ =	shalt  }
0x52: {  	_ =	shalt  }
0x53: {  	_ =	shalt  }
0x54: {  	_ =	shalt  }
0x55: {  	_ =	shalt  }
0x56: {  	_ =	shalt  }
0x57: {  	_ =	shalt  }
0x58: {  	_ =	shalt  }
0x59: {  	_ =	shalt  }
0x5a: {  	_ =	shalt  }
0x5b: {  	_ =	shalt  }
0x5c: {  	_ =	shalt  }
0x5d: {  	_ =	shalt  }
0x5e: {  	_ =	shalt  }
0x5f: {  	_ =	shalt  }
0x60: {  	_ =	shalt  }
0x61: {  	_ =	shalt  }
0x62: {  	_ =	shalt  }
0x63: {  	_ =	shalt  }
0x64: {  	_ =	shalt  }
0x65: {  	_ =	shalt  }
0x66: {  	_ =	shalt  }
0x67: {  	_ =	shalt  }
0x68: {  	_ =	shalt  }
0x69: {  	_ =	shalt  }
0x6a: {  	_ =	shalt  }
0x6b: {  	_ =	shalt  }
0x6c: {  	_ =	shalt  }
0x6d: {  	_ =	shalt  }
0x6e: {  	_ =	shalt  }
0x6f: {  	_ =	shalt  }
0x70: {  	_ =	shalt  }
0x71: {  	_ =	shalt  }
0x72: {  	_ =	shalt  }
0x73: {  	_ =	shalt  }
0x74: {  	_ =	shalt  }
0x75: {  	_ =	shalt  }
0x76: {  	_ =	shalt  }
0x77: {  	_ =	shalt  }
0x78: {  	_ =	shalt  }
0x79: {  	_ =	shalt  }
0x7a: {  	_ =	shalt  }
0x7b: {  	_ =	shalt  }
0x7c: {  	_ =	shalt  }
0x7d: {  	_ =	shalt  }
0x7e: {  	_ =	shalt  }
0x7f: {  	_ =	shalt  }
0x80: {  	_ =	shalt  }
0x81: {  	_ =	shalt  }
0x82: {  	_ =	shalt  }
0x83: {  	_ =	shalt  }
0x84: {  	_ =	shalt  }
0x85: {  	_ =	shalt  }
0x86: {  	_ =	shalt  }
0x87: {  	_ =	shalt  }
.Lfunc_end0:
.L_simem_size_0:
called_computation.2_lowered:
.L_overlay_start_0:
0x88: {  	s2 =	sld [smem:$0x3FD9]  }
0x89: {  	s3 =	sld [smem:$0x3FFE];
	_ =	sdelay $0x1  }
0x8a: {  	s1 =	srdreg.scid  }
0x8b: {  	s0 =	sand.u32 $0x1, s1  }
0x8c: {  	s16 =	sshll.u32 s0, $0xA;
	s2 =	sadd.s32 s3, s2  }
0x8d: {  	s2 =	sadd.s32 s2, s16  }
0x8e: {  	[smem:$0x3FBA] =	sst s2  }
0x8f: {  	_ = 	snop  }
0x90: {  	(tm) =	ssettm $0x1  }
0x91: {  	s17 =	sld [smem:$0x3FFB];
	_ =	sdelay $0x3  }
0x92: {  	_ =	strace s17  }
0x93: {  	s2 =	sld [smem:$0x3FFC];
	_ =	sdelay $0x3  }
0x94: {  	_ =	strace s2  }
0x95: {  	s2 =	sld [smem:$0x3FFD];
	_ =	sdelay $0x3  }
0x96: {  	_ =	strace s2  }
0x97: {  	_ =	strace $0x8FFFFFFF  }
0x98: {  	s18 =	sld [smem:$0x3FDB];
	_ =	sdelay $0x1  }
0x99: {  	s19 =	simm.s32 $_scs_section_size  }
0x9a: {  	s4 =	simm.s32 $_size__tile_overlayer_lowered;
	s5 =	simm.s32 $_tile_overlayer_lowered  }
0x9b: {  	s22 =	simm.s32 $0x1BFF;
	s21 =	sshll.u32 s5, $0x1;
	s2 =	sadd.s32 s19, s18  }
0x9c: {  	s6 =	simm.s32 $0x0;
	s20 =	sshll.u32 s4, $0x1;
	s4 =	sadd.s32 s21, s2  }
0x9d: {  	[timem:s6], [sflag:s22] =	dma.local [hbm:s4], s20  }
0x9e: {  	_ =	swait.ge [sflag:s22], s20  }
0x9f: {  	s3 =	ssub.s32 $0x0, s20;
	[sflag:s22] =	ssyncset.done $0x0  }
0xa0: {  	[sflag:s22] =	ssyncadd.s32 s3;
	_ =	sdelay $0x1  }
0xa1: {  	s23 =	simm.s32 $0x1B8B  }
0xa2: {  	_ =	swait.ge [sflag:s23], $0x1  }
0xa3: {  	[sflag:s23] =	ssyncset.done $0x0  }
0xa4: {  	s25 =	simm.s32 $0x1B8E;
	s24 =	sld [smem:$0x3FFE];
	[sflag:s23] =	ssyncadd.s32 $0xFFFFFFFF  }
0xa5: {  	s26 =	simm.s32 $execute0_lowered;
	[smem:$0x3FD2] =	sst s25  }
0xa6: {  	s4 =	sshll.u32 s26, $0x1;
	_ =	strace $0x8000004C;
	[dreg:$0x1] =	wrdreg $0xFFFFFFFF  }
0xa7: {  	s28 =	simm.s32 $_size_execute0_lowered;
	s2 =	sadd.s32 s2, s4;
	[dreg:$0x0] =	wrdreg $0x0  }
0xa8: {  	s4 =	sshll.u32 s28, $0x1;
	[dreg:$0x2] =	wrdreg s2  }
0xa9: {  	[dreg:$0x3] =	wrdreg s4  }
0xaa: {  	[dreg:$0x4] =	wrdreg $0xC0  }
0xab: {  	_ =	task [dreg:s6], $0x5FFFF  }
0xac: {  	[dreg:$0x1] =	wrdreg $0xFFFFFFFF  }
0xad: {  	[dreg:$0x0] =	wrdreg $0x60  }
0xae: {  	[dreg:$0x2] =	wrdreg s24  }
0xaf: {  	[dreg:$0x3] =	wrdreg $0x9F000  }
0xb0: {  	[dreg:$0x4] =	wrdreg $0x9  }
0xb1: {  	_ =	task.clear_ibuf [dreg:s6], $0x5FFFF;
	_ =	strace $0x9000004C  }
0xb2: {  	s29 =	simm.s32 $0x9;
	_ =	strace $0x8000004E  }
0xb3: {  	_ =	swait.ge [sflag:s29], $0x1  }
0xb4: {  	[sflag:s29] =	ssyncadd.s32 $0xFFFFFFFF  }
0xb5: {  	_ =	strace $0x9000004E  }
0xb6: {  	_ =	sfence  }
0xb7: {  	s30 =	sld [smem:$0x0];
	_ =	sdelay $0x2  }
0xb8: {  	s31 =	sshll.u32 s1, $0xD;
	s1 =	sshrl.u32 s1, $0x2  }
0xb9: {  	s3 =	sand.u32 $0x4000, s31;
	s1 =	sadd.s32 s1, s30  }
0xba: {  	s0 =	sor.u32 s3, s0;
	s1 =	sshll.u32 s1, $0x11  }
0xbb: {  	s0 =	sor.u32 s1, s0  }
0xbc: {  	s0 =	sadd.s32 $0x8F2B, s0  }
0xbd: {  	[sflag:s0] =	ssyncadd.remote.s32 $0x1  }
0xbe: {  	_ =	sfence.sel $0xFFFF  }
0xbf: {  	[dreg:$0x0] =	wrdreg $0xFFFFFFFF;
	(pc) =	sbr.abs _section_cstart, $3  }
0xc0: {  	[dreg:$0x1] =	wrdreg $0xFFFFFFFF  }
0xc1: {  	_ =	task.clear_ibuf [dreg:s6], $0x2FFFF;
	_ =	strace $0x9FFFFFFF  }
0xc2: {  	(tm) =	ssettm $0x7FFFFFFF  }
0xc3: {  	_ =	shalt  }
tec
execute0_lowered:
.L_overlay_start_1:
0x0: {  	(tag) =	ssettag $0x1  }
0x1: {  	s9 =	rddreg [dreg:$0x0]  }
0x2: {  	s2 =	rddreg [dreg:$0x1]  }
0x3: {  	s0 =	rddreg [dreg:$0x2]  }
0x4: {  	s3 =	simm.s32 $0x0;
	s1 =	stileid.u32;
	s7 =	srdreg.scid  }
0x5: {  	s17 =	simm.s32 $0x3;
	s18 =	simm.s32 $0x1;
	s19 =	simm.s32 $0x2  }
0x6: {  	s21 =	simm.s32 $0x50;
	s22 =	simm.s32 $0x4F00;
	s23 =	simm.s32 $0x7700  }
0x7: {  	s24 =	simm.s32 $0x4E40;
	s25 =	simm.s32 $0x0;
	[smem:$0x7FF] =	sst s3  }
0x8: {  	s10 =	smul.u32 $0x13800, s1;
	s6 =	sadd.s32 $0x4A00, s9;
	s4 =	sadd.s32 $0x66A00, s9  }
0x9: {  	s7 =	sand.u32 $0x1, s7;
	s8 =	sshrl.u32 s1, $0x2;
	s11 =	sshll.u32 s1, $0x8  }
0xa: {  	s28 =	sadd.s32 $0x8DC00, s9;
	s15 =	smul.u32 $0x4E000, s1;
	s31 =	sshll.u32 s1, $0x6  }
0xb: {  	s20 =	sadd.s32 $0x138000, s2;
	p0 =	sne.s32 s1, $0xF;
	_ =	strace $0x8000004D  }
0xc: {  	s8 =	smul.u32 $0x13C00, s8;
	s12 =	sshll.u32 s7, $0x7;
	s11 =	sand.u32 $0x300, s11  }
0xd: {  	s26 =	ssub.s32 $0x2, s7;
	s30 =	smul.u32 $0x138800, s7;
	s20 =	sshrl.u32 @!p0 s20, $0x3  }
0xe: {  	s5 =	sshrl.u32 s10, $0x3;
	s11 =	sor.u32 s12, s11;
	s14 =	sshrl.u32 s26, $0x1  }
0xf: {  	s29 =	sshrl.u32 s15, $0x2;
	s15 =	simm.s32 $0x2780;
	s13 =	sadd.s32 s5, s9  }
0x10: {  	s8 =	sor.u32 s8, s11;
	s14 =	ssub.s32 s26, s14;
	s16 =	sadd.s32 s29, s2  }
0x11: {  	s10 =	sadd.s32 s10, s30;
	s9 =	sadd.s32 $0x3F600, s9;
	s11 =	sshrl.u32 s8, $0x3  }
0x12: {  	s8 =	sadd.s32 $0x4F000, s8;
	s7 =	sadd.s32 $0x18600, s13;
	s10 =	sshrl.u32 s10, $0x3  }
0x13: {  	s12 =	smax.u32 s14, $0x1;
	s13 =	simm.s32 $0x80;
	s14 =	simm.s32 $0x400  }
0x14: {  	s16 =	sshrl.u32 s16, $0x3;
	s5 =	sadd.s32 s6, s11;
	s11 =	sshrl.u32 s30, $0x3  }
0x15: {  	s8 =	sshrl.u32 s8, $0x3;
	s10 =	sadd.s32 s28, s10;
	s11 =	sadd.s32 s28, s11  }
0x16: {  	s6 =	sadd.s32 s6, s8;
	s8 =	sor.u32 $0x1C03, s31;
	s11 =	sadd.s32 $0x27000, s11  }
.LBB2_1:
0x17: {  	[tilespmem:s3], [sflag:$0x1] =	stream.strided.gather [hbm4b:s5+s13], $0x2780, s14, s13, $0x38;
	[tilespmem:$0x1D780] =	vst v63  }
0x18: {  	_ = 	snop  }
0x19: {  	[tilespmem:s15], [sflag:$0x2] =	stream.strided.gather [hbm4b:s6+s13], $0x2780, s14, s13, $0x38;
	[tilespmem:$0x1D780] =	vst v63  }
0x1a: {  	[spmem:s16], [sflag:s8] =	dma.local [hbm:s7], $0x2700  }
0x1b: {  	_ =	swait.ge [sflag:s17], $0x2700  }
0x1c: {  	[sflag:s17] =	ssyncset.done $0x0  }
0x1d: {  	[sflag:s17] =	ssyncadd.s32 $0xFFFFD900  }
0x1e: {  	_ =	swait.ge [sflag:s18], $0x2780  }
0x1f: {  	[sflag:s18] =	ssyncset.done $0x0  }
0x20: {  	[sflag:s18] =	ssyncadd.s32 $0xFFFFD880  }
0x21: {  	_ =	swait.ge [sflag:s19], $0x2780  }
0x22: {  	[sflag:s19] =	ssyncset.done $0x0  }
0x23: {  	s26 =	simm.s32 @!p0 $0x3;
	[sflag:s19] =	ssyncadd.s32 $0xFFFFD880  }
0x24: {  	[spmem:s20], [sflag:s8] =	dma.local @!p0 [hbm:s9], $0x100  }
0x25: {  	_ =	swait.ge @!p0 [sflag:s26], $0x100  }
0x26: {  	[sflag:s26] =	ssyncset.done @!p0 $0x0  }
0x27: {  	[sflag:s26] =	ssyncadd.s32 @!p0 $0xFFFFFF00  }
0x28: {  	[bflag:$0x0] =	sbarrier.arrive $0xFFFF  }
0x29: {  	[tilespmem:s22], [sflag:$0x1] =	stream.indirect.gather [hbm4b:s4+s21], $0x80, s3, s21, $0xb8;
	[tilespmem:$0x1D780] =	vst v63  }
0x2a: {  	s31 =	simm.s32 $0x50  }
0x2b: {  	[tilespmem:s23], [sflag:$0x2] =	stream.indirect.gather [hbm4b:s4+s21], $0x80, s31, s21, $0xb8;
	[tilespmem:$0x1D780] =	vst v63  }
0x2c: {  	_ =	swait.ge [sflag:s18], $0x2800  }
0x2d: {  	[sflag:s18] =	ssyncset.done $0x0  }
0x2e: {  	s29 =	simm.s32 $0x2780;
	[sflag:s18] =	ssyncadd.s32 $0xFFFFD800  }
0x2f: {  	[spmem:s2] =	stream.indirect.scatter.add.f32 [tilespmem:s22], [sflag:$0x3], $0x80, s29, s21, $0xb8;
	[tilespmem:$0x1D780] =	vst v63  }
0x30: {  	_ =	swait.ge [sflag:s17], $0x2800  }
0x31: {  	[sflag:s17] =	ssyncset.done $0x0  }
0x32: {  	s30 =	simm.s32 $0xA0;
	[sflag:s17] =	ssyncadd.s32 $0xFFFFD800  }
0x33: {  	[tilespmem:s22], [sflag:$0x1] =	stream.indirect.gather [hbm4b:s4+s21], $0x80, s30, s21, $0xb8;
	[tilespmem:$0x1D780] =	vst v63  }
0x34: {  	_ =	swait.ge [sflag:s19], $0x2800  }
0x35: {  	[sflag:s19] =	ssyncset.done $0x0  }
0x36: {  	s31 =	simm.s32 $0x27D0;
	[sflag:s19] =	ssyncadd.s32 $0xFFFFD800  }
0x37: {  	[spmem:s2] =	stream.indirect.scatter.add.f32 [tilespmem:s23], [sflag:$0x3], $0x80, s31, s21, $0xb8;
	[tilespmem:$0x1D780] =	vst v63  }
0x38: {  	_ =	swait.ge [sflag:s17], $0x2800  }
0x39: {  	s28 =	simm.s32 $0x500;
	s26 =	simm.s32 $0xA0;
	[sflag:s17] =	ssyncset.done $0x0  }
.LBB2_2:
0x3a: {  	s29 =	sadd.s32 $0x50, s26  }
0x3b: {  	[sflag:s17] =	ssyncadd.s32 $0xFFFFD800;
	s30 =	smov.u32 s28;
	s31 =	sadd.s32 $0x280, s28  }
0x3c: {  	[tilespmem:s23], [sflag:$0x2] =	stream.indirect.gather [hbm4b:s4+s21], $0x80, s29, s21, $0xb8;
	[tilespmem:$0x1D780] =	vst v63  }
0x3d: {  	p1 =	sne.s32 s28, $0x9880;
	_ =	swait.ge [sflag:s18], $0x2800  }
0x3e: {  	[sflag:s18] =	ssyncset.done $0x0  }
0x3f: {  	s28 =	sadd.s32 $0x2780, s26;
	[sflag:s18] =	ssyncadd.s32 $0xFFFFD800  }
0x40: {  	[spmem:s2] =	stream.indirect.scatter.add.f32 [tilespmem:s22], [sflag:$0x3], $0x80, s28, s21, $0xb8;
	[tilespmem:$0x1D780] =	vst v63  }
0x41: {  	_ =	swait.ge [sflag:s17], $0x2800  }
0x42: {  	[sflag:s17] =	ssyncset.done $0x0  }
0x43: {  	s28 =	sadd.s32 $0xA0, s26;
	[sflag:s17] =	ssyncadd.s32 $0xFFFFD800  }
0x44: {  	[tilespmem:s22], [sflag:$0x1] =	stream.indirect.gather [hbm4b:s4+s21], $0x80, s28, s21, $0xb8;
	[tilespmem:$0x1D780] =	vst v63  }
0x45: {  	_ =	swait.ge [sflag:s19], $0x2800  }
.Ltmp0:
0x46: {  	[sflag:s19] =	ssyncset.done $0x0;
	(pc) =	sbr.rel @p1 .LBB2_2-.Ltmp0, $4  }
0x47: {  	s26 =	sadd.s32 $0x27D0, s26;
	[sflag:s19] =	ssyncadd.s32 $0xFFFFD800  }
0x48: {  	[spmem:s2] =	stream.indirect.scatter.add.f32 [tilespmem:s23], [sflag:$0x3], $0x80, s26, s21, $0xb8;
	[tilespmem:$0x1D780] =	vst v63  }
0x49: {  	_ =	swait.ge [sflag:s17], $0x2800  }
0x4a: {  	s28 =	smov.u32 s31;
	s26 =	sshra.s32 s30, $0x2;
	[sflag:s17] =	ssyncset.done $0x0  }
0x4b: {  	s28 =	sadd.s32 $0x50, s26;
	[sflag:s17] =	ssyncadd.s32 $0xFFFFD800  }
0x4c: {  	[tilespmem:s23], [sflag:$0x2] =	stream.indirect.gather [hbm4b:s4+s21], $0x80, s28, s21, $0xb8;
	[tilespmem:$0x1D780] =	vst v63  }
0x4d: {  	_ =	swait.ge [sflag:s18], $0x2800  }
0x4e: {  	[sflag:s18] =	ssyncset.done $0x0  }
0x4f: {  	s29 =	sadd.s32 $0x2780, s26;
	[sflag:s18] =	ssyncadd.s32 $0xFFFFD800  }
0x50: {  	[spmem:s2] =	stream.indirect.scatter.add.f32 [tilespmem:s22], [sflag:$0x3], $0x80, s29, s21, $0xb8;
	[tilespmem:$0x1D780] =	vst v63  }
0x51: {  	_ =	swait.ge [sflag:s17], $0x2800  }
0x52: {  	[sflag:s17] =	ssyncset.done $0x0  }
0x53: {  	s30 =	sadd.s32 $0xA0, s26;
	[sflag:s17] =	ssyncadd.s32 $0xFFFFD800  }
0x54: {  	[tilespmem:s22], [sflag:$0x1] =	stream.indirect.gather [hbm4b:s4+s21], $0x80, s30, s21, $0xb8;
	[tilespmem:$0x1D780] =	vst v63  }
0x55: {  	_ =	swait.ge [sflag:s19], $0x2800  }
0x56: {  	[sflag:s19] =	ssyncset.done $0x0  }
0x57: {  	s31 =	sadd.s32 $0x27D0, s26;
	[sflag:s19] =	ssyncadd.s32 $0xFFFFD800  }
0x58: {  	[spmem:s2] =	stream.indirect.scatter.add.f32 [tilespmem:s23], [sflag:$0x3], $0x80, s31, s21, $0xb8;
	[tilespmem:$0x1D780] =	vst v63  }
0x59: {  	_ =	swait.ge [sflag:s17], $0x2800  }
0x5a: {  	[sflag:s17] =	ssyncset.done $0x0  }
0x5b: {  	[sflag:s17] =	ssyncadd.s32 $0xFFFFD800  }
0x5c: {  	_ =	swait.ge [sflag:s18], $0x2800  }
0x5d: {  	[sflag:s18] =	ssyncset.done $0x0  }
0x5e: {  	[sflag:s18] =	ssyncadd.s32 $0xFFFFD800  }
0x5f: {  	[spmem:s2] =	stream.indirect.scatter.add.f32 [tilespmem:s22], [sflag:$0x3], $0x80, s24, s21, $0xb8;
	[tilespmem:$0x1D780] =	vst v63  }
0x60: {  	_ =	swait.ge [sflag:s17], $0x2800  }
0x61: {  	[sflag:s17] =	ssyncset.done $0x0  }
0x62: {  	[sflag:s17] =	ssyncadd.s32 $0xFFFFD800  }
0x63: {  	[bflag:$0x0] =	sbarrier.arrive $0xFFFF  }
0x64: {  	[hbm:s10], [sflag:s8] =	dma.local [spmem:s16], $0x2700  }
0x65: {  	s25 =	sadd.s32 $0x1, s25;
	_ =	swait.ge [sflag:s17], $0x2700  }
0x66: {  	p1 =	sne.s32 s25, s12;
	[sflag:s17] =	ssyncset.done $0x0  }
.Ltmp1:
0x67: {  	s26 =	simm.s32 @!p0 $0x3;
	[sflag:s17] =	ssyncadd.s32 $0xFFFFD900;
	(pc) =	sbr.rel @p1 .LBB2_1-.Ltmp1, $4  }
0x68: {  	[hbm:s11], [sflag:s8] =	dma.local @!p0 [spmem:s20], $0x100  }
0x69: {  	_ =	swait.ge @!p0 [sflag:s26], $0x100  }
0x6a: {  	[sflag:s26] =	ssyncset.done @!p0 $0x0  }
0x6b: {  	[sflag:s26] =	ssyncadd.s32 @!p0 $0xFFFFFF00  }
0x6c: {  	_ =	sfence.sel $0x180000  }
0x6d: {  	[bflag:$0x0] =	sbarrier.arrive $0xFFFF  }
0x6e: {  	p0 =	sne.s32 s1, $0x0;
	_ =	strace $0x9000004D  }
0x6f: {  	s0 =	sadd.s32 @!p0 $0x100000, s0;
	[bflag:$0x2] =	sbarrier.arrive $0xFFFF  }
0x70: {  	[sflag:s0] =	ssyncadd.tile.s32 @!p0 $0x1;
	_ =	shalt  }
.Lfunc_end2:
_tile_overlayer_lowered:
.L_overlay_start_2:
0x71: {  	(tag) =	ssettag $0x2  }
0x72: {  	s0 =	rddreg [dreg:$0x0];
	s2 =	stileid.u32  }
0x73: {  	s1 =	rddreg [dreg:$0x1];
	p0 =	sne.s32 s2, $0x0  }
0x74: {  	s3 =	rddreg [dreg:$0x2];
	[bflag:$0x3] =	sbarrier.arrive $0xFFFF;
	s2 =	simm.s32 @!p0 $0x1C03  }
0x75: {  	[timem:s3], [sflag:s2] =	dma.local @!p0 [hbm:s0], s1  }
0x76: {  	s0 =	simm.s32 @!p0 $0x3  }
0x77: {  	_ =	swait.ge @!p0 [sflag:s0], s1  }
0x78: {  	s1 =	ssub.s32 @!p0 $0x0, s1;
	[sflag:s0] =	ssyncset.done @!p0 $0x0  }
0x79: {  	[sflag:s0] =	ssyncadd.s32 @!p0 s1  }
0x7a: {  	[bflag:$0x3] =	sbarrier.arrive $0xFFFF  }
0x7b: {  	_ =	shalt  }

// kernel: kernel.9.cloned.1.call-start
scs
__scs_entry_jumppad:
0x0: {  	(pc) =	sbr.rel $0x88, $3  }
0x1: {  	(tag) =	ssettag $0x0;
	lr =	simm.s32 $0x1  }
0x2: {  	[smem:$0x3F93] =	sst lr;
	_ =	strace $0xD0000000  }
0x3: {  	_ = 	snop  }
0x4: {  	_ = 	snop  }
0x5: {  	_ = 	snop  }
0x6: {  	_ = 	snop  }
0x7: {  	_ = 	snop  }
__scs_overlays_trampoline_lowered:
0x8: {  	[smem:$0x3FA2] =	sst s0  }
0x9: {  	[smem:$0x3FA3] =	sst s1  }
0xa: {  	[smem:$0x3FA4] =	sst s2  }
0xb: {  	[smem:$0x3FA5] =	sst s3  }
0xc: {  	[smem:$0x3FA6] =	sst s4  }
0xd: {  	[smem:$0x3FA7] =	sst s5  }
0xe: {  	[smem:$0x3FA8] =	sst s6  }
0xf: {  	[smem:$0x3FA9] =	sst s7  }
0x10: {  	[smem:$0x3FAA] =	sst s8  }
0x11: {  	[smem:$0x3FAB] =	sst s9;
	s0 =	simm.s32 @!p0 $0x0  }
0x12: {  	s1 =	sld [smem:$0x3F91];
	s0 =	simm.s32 @p0 $0x1  }
0x13: {  	[smem:$0x3FAC] =	sst s0;
	s0 =	simm.s32 @!p1 $0x0  }
0x14: {  	s2 =	sld [smem:$0x3F90];
	s0 =	simm.s32 @p1 $0x1  }
0x15: {  	[smem:$0x3FAD] =	sst s0;
	s0 =	simm.s32 @!p2 $0x0  }
0x16: {  	s3 =	sld [smem:$0x3FDB];
	s0 =	simm.s32 @p2 $0x1  }
0x17: {  	s4 =	simm.s32 $0x1BF5;
	[smem:$0x3FAF] =	sst s0  }
0x18: {  	s0 =	sld [smem:$0x3F92];
	_ =	swait.ge [sflag:s4], $0x0  }
0x19: {  	s7 =	sld [smem:$0x3F93]  }
0x1a: {  	s8 =	sadd.s32 $0xFFFFE003, lr  }
0x1b: {  	s9 =	sadd.s32 $0xFFFFFEF7, lr;
	s5 =	simm.s32 $0xFFFFFFFF;
	p2 =	slt.u32 s8, $0xFFFFF086  }
0x1c: {  	p1 =	slt.u32 s9, $0xF7A;
	s5 =	simm.s32 @!p2 $0x0  }
0x1d: {  	s5 =	simm.s32 @p1 $0x1;
	p0 =	seq.s32 s7, s2  }
0x1e: {  	s7 =	smul.u32 @!p0 $0xF7A, s2;
	p2 =	seq.s32 @!p0 s5, $0x0  }
0x1f: {  	s9 =	smul.u32 $0xF7A, s1;
	s8 =	simm.s32 @!p0 $0x1BF5;
	p2 =	por !p2, p0  }
0x20: {  	[sflag:s8] =	ssyncset.s32 @!p0 $0xFFFFF086;
	s6 =	sadd.s32 @!p0 s3, s7;
	s7 =	simm.s32 @!p0 $0x108  }
0x21: {  	s3 =	sadd.s32 s3, s9;
	s6 =	sadd.s32 @!p0 $0x88, s6;
	s7 =	simm.s32 @p2 $0x1082  }
0x22: {  	[simem:s7], [sflag:s8] =	dma.local @!p0 [hbm:s6], $0xF7A  }
0x23: {  	s9 =	sor.u32 $0xD0000000, s2;
	s6 =	simm.s32 $0x108;
	_ =	swait.ge @!p0 [sflag:s8], $0x0  }
0x24: {  	s3 =	sadd.s32 $0x88, s3;
	s6 =	simm.s32 @!p1 $0x1082;
	[sflag:s4] =	ssyncset.s32 $0xFFFFF086  }
0x25: {  	[simem:s6], [sflag:s4] =	dma.local [hbm:s3], $0xF7A  }
0x26: {  	[smem:$0x3F93] =	sst s1;
	(tag) =	ssettag s2;
	_ =	strace s9  }
0x27: {  	s1 =	sld [smem:$0x3FA3]  }
0x28: {  	s2 =	sld [smem:$0x3FA4]  }
0x29: {  	s4 =	sld [smem:$0x3FA6]  }
0x2a: {  	p0 =	seq.s32 s5, $0x0;
	s5 =	sld [smem:$0x3FA7]  }
0x2b: {  	s6 =	sld [smem:$0x3FA8]  }
0x2c: {  	s7 =	sld [smem:$0x3FA9]  }
0x2d: {  	s3 =	simm.s32 $0x108;
	s8 =	sld [smem:$0x3FAA]  }
0x2e: {  	s3 =	simm.s32 @!p0 $0x1082;
	s9 =	sld [smem:$0x3FAB]  }
0x2f: {  	lr =	sadd.s32 s0, s3;
	s0 =	sld [smem:$0x3FA2]  }
0x30: {  	s3 =	sld [smem:$0x3FA5]  }
0x31: {  	[smem:$0x3FAE] =	sst s10  }
0x32: {  	s10 =	sld [smem:$0x3FAC];
	_ =	sdelay $0x3  }
0x33: {  	p0 =	seq.s32 s10, $0x1;
	s10 =	sld [smem:$0x3FAE];
	_ =	sdelay $0x3  }
0x34: {  	[smem:$0x3FAE] =	sst s10  }
0x35: {  	s10 =	sld [smem:$0x3FAD];
	_ =	sdelay $0x3  }
0x36: {  	p1 =	seq.s32 s10, $0x1;
	s10 =	sld [smem:$0x3FAE];
	_ =	sdelay $0x3  }
0x37: {  	[smem:$0x3FAE] =	sst s10  }
0x38: {  	s10 =	sld [smem:$0x3FAF]  }
0x39: {  	_ = 	snop;
	(pc) =	sbr.ind lr, $3  }
0x3a: {  	_ = 	snop  }
0x3b: {  	_ = 	snop  }
0x3c: {  	p2 =	seq.s32 s10, $0x1;
	s10 =	sld [smem:$0x3FAE]  }
0x3d: {  	_ =	shalt  }
0x3e: {  	_ =	shalt  }
0x3f: {  	_ =	shalt  }
0x40: {  	_ =	shalt  }
0x41: {  	_ =	shalt  }
0x42: {  	_ =	shalt  }
0x43: {  	_ =	shalt  }
0x44: {  	_ =	shalt  }
0x45: {  	_ =	shalt  }
0x46: {  	_ =	shalt  }
0x47: {  	_ =	shalt  }
0x48: {  	_ =	shalt  }
0x49: {  	_ =	shalt  }
0x4a: {  	_ =	shalt  }
0x4b: {  	_ =	shalt  }
0x4c: {  	_ =	shalt  }
0x4d: {  	_ =	shalt  }
0x4e: {  	_ =	shalt  }
0x4f: {  	_ =	shalt  }
0x50: {  	_ =	shalt  }
0x51: {  	_ =	shalt  }
0x52: {  	_ =	shalt  }
0x53: {  	_ =	shalt  }
0x54: {  	_ =	shalt  }
0x55: {  	_ =	shalt  }
0x56: {  	_ =	shalt  }
0x57: {  	_ =	shalt  }
0x58: {  	_ =	shalt  }
0x59: {  	_ =	shalt  }
0x5a: {  	_ =	shalt  }
0x5b: {  	_ =	shalt  }
0x5c: {  	_ =	shalt  }
0x5d: {  	_ =	shalt  }
0x5e: {  	_ =	shalt  }
0x5f: {  	_ =	shalt  }
0x60: {  	_ =	shalt  }
0x61: {  	_ =	shalt  }
0x62: {  	_ =	shalt  }
0x63: {  	_ =	shalt  }
0x64: {  	_ =	shalt  }
0x65: {  	_ =	shalt  }
0x66: {  	_ =	shalt  }
0x67: {  	_ =	shalt  }
0x68: {  	_ =	shalt  }
0x69: {  	_ =	shalt  }
0x6a: {  	_ =	shalt  }
0x6b: {  	_ =	shalt  }
0x6c: {  	_ =	shalt  }
0x6d: {  	_ =	shalt  }
0x6e: {  	_ =	shalt  }
0x6f: {  	_ =	shalt  }
0x70: {  	_ =	shalt  }
0x71: {  	_ =	shalt  }
0x72: {  	_ =	shalt  }
0x73: {  	_ =	shalt  }
0x74: {  	_ =	shalt  }
0x75: {  	_ =	shalt  }
0x76: {  	_ =	shalt  }
0x77: {  	_ =	shalt  }
0x78: {  	_ =	shalt  }
0x79: {  	_ =	shalt  }
0x7a: {  	_ =	shalt  }
0x7b: {  	_ =	shalt  }
0x7c: {  	_ =	shalt  }
0x7d: {  	_ =	shalt  }
0x7e: {  	_ =	shalt  }
0x7f: {  	_ =	shalt  }
0x80: {  	_ =	shalt  }
0x81: {  	_ =	shalt  }
0x82: {  	_ =	shalt  }
0x83: {  	_ =	shalt  }
0x84: {  	_ =	shalt  }
0x85: {  	_ =	shalt  }
0x86: {  	_ =	shalt  }
0x87: {  	_ =	shalt  }
.Lfunc_end0:
.L_simem_size_0:
called_computation_lowered:
.L_overlay_start_0:
0x88: {  	s2 =	sld [smem:$0x3FD9]  }
0x89: {  	s3 =	sld [smem:$0x3FFE];
	_ =	sdelay $0x1  }
0x8a: {  	s1 =	srdreg.scid  }
0x8b: {  	s0 =	sand.u32 $0x1, s1  }
0x8c: {  	s14 =	sshll.u32 s0, $0xA;
	s2 =	sadd.s32 s3, s2  }
0x8d: {  	s2 =	sadd.s32 s2, s14  }
0x8e: {  	[smem:$0x3FBA] =	sst s2  }
0x8f: {  	_ = 	snop  }
0x90: {  	s2 =	sld [smem:$0x3FD0];
	_ =	sdelay $0x2  }
0x91: {  	s15 =	simm.s32 $0xA;
	s4 =	simm.s32 $0x10  }
0x92: {  	[smem:s4], [sflag:s15] =	dma.local [hbm:s2], $0x1  }
0x93: {  	_ =	swait.eq [sflag:s15], $0x1  }
0x94: {  	[sflag:s15] =	ssyncset.done $0x0  }
0x95: {  	[sflag:s15] =	ssyncadd.s32 $0xFFFFFFFF  }
0x96: {  	s16 =	sld [smem:$0x11];
	(tm) =	ssettm $0x1  }
0x97: {  	s17 =	sld [smem:$0x3FFB];
	_ =	sdelay $0x3  }
0x98: {  	_ =	strace s17  }
0x99: {  	s3 =	sld [smem:$0x3FFC];
	_ =	sdelay $0x3  }
0x9a: {  	_ =	strace s3  }
0x9b: {  	s3 =	sld [smem:$0x3FFD];
	_ =	sdelay $0x3  }
0x9c: {  	_ =	strace s3  }
0x9d: {  	_ =	strace $0x8FFFFFFF  }
0x9e: {  	s18 =	sld [smem:$0x3FDB];
	_ =	sdelay $0x1  }
0x9f: {  	s19 =	simm.s32 $_scs_section_size  }
0xa0: {  	s5 =	simm.s32 $_size__tile_overlayer_lowered;
	s6 =	simm.s32 $_tile_overlayer_lowered  }
0xa1: {  	s22 =	simm.s32 $0x1BFF;
	s21 =	sshll.u32 s6, $0x1;
	s3 =	sadd.s32 s19, s18  }
0xa2: {  	s7 =	simm.s32 $0x0;
	s20 =	sshll.u32 s5, $0x1;
	s5 =	sadd.s32 s21, s3  }
0xa3: {  	[timem:s7], [sflag:s22] =	dma.local [hbm:s5], s20  }
0xa4: {  	_ =	swait.ge [sflag:s22], s20  }
0xa5: {  	s4 =	ssub.s32 $0x0, s20;
	[sflag:s22] =	ssyncset.done $0x0  }
0xa6: {  	[sflag:s22] =	ssyncadd.s32 s4;
	_ =	sdelay $0x1  }
0xa7: {  	s23 =	simm.s32 $0x1B8B  }
0xa8: {  	_ =	swait.ge [sflag:s23], $0x1  }
0xa9: {  	[sflag:s23] =	ssyncset.done $0x0  }
0xaa: {  	s25 =	simm.s32 $0x1B8E;
	s24 =	sld [smem:$0x3FFE];
	[sflag:s23] =	ssyncadd.s32 $0xFFFFFFFF  }
0xab: {  	s26 =	simm.s32 $execute0_lowered;
	[smem:$0x3FD2] =	sst s25  }
0xac: {  	s5 =	sshll.u32 s26, $0x1;
	_ =	strace $0x80000046;
	[dreg:$0x1] =	wrdreg $0xFFFFFFFF  }
0xad: {  	s28 =	simm.s32 $_size_execute0_lowered;
	s3 =	sadd.s32 s3, s5;
	[dreg:$0x0] =	wrdreg $0x0  }
0xae: {  	s5 =	sshll.u32 s28, $0x1;
	[dreg:$0x2] =	wrdreg s3  }
0xaf: {  	[dreg:$0x3] =	wrdreg s5  }
0xb0: {  	[dreg:$0x4] =	wrdreg $0xC0  }
0xb1: {  	_ =	task [dreg:s7], $0x5FFFF  }
0xb2: {  	[dreg:$0x1] =	wrdreg $0xFFFFFFFF  }
0xb3: {  	[dreg:$0x0] =	wrdreg $0x60  }
0xb4: {  	[dreg:$0x2] =	wrdreg s24  }
0xb5: {  	[dreg:$0x3] =	wrdreg s16  }
0xb6: {  	[dreg:$0x4] =	wrdreg $0x9F000  }
0xb7: {  	[dreg:$0x5] =	wrdreg $0x9  }
0xb8: {  	_ =	task.clear_ibuf [dreg:s7], $0x6FFFF;
	_ =	strace $0x90000046  }
0xb9: {  	s29 =	simm.s32 $0x9;
	_ =	strace $0x80000048  }
0xba: {  	_ =	swait.ge [sflag:s29], $0x1  }
0xbb: {  	[sflag:s29] =	ssyncadd.s32 $0xFFFFFFFF  }
0xbc: {  	_ =	strace $0x90000048  }
0xbd: {  	_ =	sfence  }
0xbe: {  	s30 =	sld [smem:$0x0];
	_ =	sdelay $0x2  }
0xbf: {  	s31 =	sshll.u32 s1, $0xD;
	s1 =	sshrl.u32 s1, $0x2  }
0xc0: {  	s3 =	sand.u32 $0x4000, s31;
	s1 =	sadd.s32 s1, s30  }
0xc1: {  	s0 =	sor.u32 s3, s0;
	s1 =	sshll.u32 s1, $0x11  }
0xc2: {  	s0 =	sor.u32 s1, s0  }
0xc3: {  	s0 =	sadd.s32 $0x8F2B, s0  }
0xc4: {  	[sflag:s0] =	ssyncadd.remote.s32 $0x1  }
0xc5: {  	_ =	sfence.sel $0xFFFF  }
0xc6: {  	[dreg:$0x0] =	wrdreg $0xFFFFFFFF;
	(pc) =	sbr.abs _section_cstart, $3  }
0xc7: {  	[dreg:$0x1] =	wrdreg $0xFFFFFFFF  }
0xc8: {  	_ =	task.clear_ibuf [dreg:s7], $0x2FFFF;
	_ =	strace $0x9FFFFFFF  }
0xc9: {  	(tm) =	ssettm $0x7FFFFFFF  }
tec
execute0_lowered:
.L_overlay_start_1:
0x0: {  	(tag) =	ssettag $0x1  }
0x1: {  	s9 =	rddreg [dreg:$0x0]  }
0x2: {  	s2 =	rddreg [dreg:$0x1]  }
0x3: {  	s3 =	rddreg [dreg:$0x2]  }
0x4: {  	s0 =	rddreg [dreg:$0x3];
	s4 =	simm.s32 $0x0;
	s1 =	stileid.u32  }
0x5: {  	s7 =	srdreg.scid;
	s17 =	simm.s32 $0x3;
	s18 =	simm.s32 $0x1  }
0x6: {  	s19 =	simm.s32 $0x2;
	s21 =	simm.s32 $0x50;
	s22 =	simm.s32 $0x4F00  }
0x7: {  	s23 =	simm.s32 $0x7700;
	s24 =	simm.s32 $0x4E40;
	s25 =	simm.s32 $0x0  }
0x8: {  	[smem:$0x7FF] =	sst s4;
	s10 =	smul.u32 $0x13800, s1;
	s6 =	sadd.s32 $0x4A00, s9  }
0x9: {  	s7 =	sand.u32 $0x1, s7;
	s8 =	sshrl.u32 s1, $0x2;
	s11 =	sshll.u32 s1, $0x8  }
0xa: {  	s28 =	sadd.s32 $0x3F800, s9;
	s15 =	smul.u32 $0x4E000, s1;
	s31 =	sshll.u32 s1, $0x6  }
0xb: {  	s20 =	sadd.s32 $0x138000, s3;
	p0 =	sne.s32 s1, $0xF;
	_ =	strace $0x80000047  }
0xc: {  	s8 =	smul.u32 $0x13C00, s8;
	s12 =	sshll.u32 s7, $0x7;
	s11 =	sand.u32 $0x300, s11  }
0xd: {  	s26 =	ssub.s32 $0x2, s7;
	s30 =	smul.u32 $0x138800, s7;
	s20 =	sshrl.u32 @!p0 s20, $0x3  }
0xe: {  	s5 =	sshrl.u32 s10, $0x3;
	s11 =	sor.u32 s12, s11;
	s14 =	sshrl.u32 s26, $0x1  }
0xf: {  	s29 =	sshrl.u32 s15, $0x2;
	s15 =	simm.s32 $0x2780;
	s13 =	sadd.s32 s5, s9  }
0x10: {  	s8 =	sor.u32 s8, s11;
	s14 =	ssub.s32 s26, s14;
	s16 =	sadd.s32 s29, s3  }
0x11: {  	s10 =	sadd.s32 s10, s30;
	s9 =	sadd.s32 $0x3F600, s9;
	s11 =	sshrl.u32 s8, $0x3  }
0x12: {  	s8 =	sadd.s32 $0x4F000, s8;
	s7 =	sadd.s32 $0x18600, s13;
	s10 =	sshrl.u32 s10, $0x3  }
0x13: {  	s12 =	smax.u32 s14, $0x1;
	s13 =	simm.s32 $0x80;
	s14 =	simm.s32 $0x400  }
0x14: {  	s16 =	sshrl.u32 s16, $0x3;
	s5 =	sadd.s32 s6, s11;
	s11 =	sshrl.u32 s30, $0x3  }
0x15: {  	s8 =	sshrl.u32 s8, $0x3;
	s10 =	sadd.s32 s28, s10;
	s11 =	sadd.s32 s28, s11  }
0x16: {  	s6 =	sadd.s32 s6, s8;
	s8 =	sor.u32 $0x1C03, s31;
	s11 =	sadd.s32 $0x27000, s11  }
.LBB2_1:
0x17: {  	[tilespmem:s4], [sflag:$0x1] =	stream.strided.gather [hbm4b:s5+s13], $0x2780, s14, s13, $0x38;
	[tilespmem:$0x1D780] =	vst v63  }
0x18: {  	_ = 	snop  }
0x19: {  	[tilespmem:s15], [sflag:$0x2] =	stream.strided.gather [hbm4b:s6+s13], $0x2780, s14, s13, $0x38;
	[tilespmem:$0x1D780] =	vst v63  }
0x1a: {  	[spmem:s16], [sflag:s8] =	dma.local [hbm:s7], $0x2700  }
0x1b: {  	_ =	swait.ge [sflag:s17], $0x2700  }
0x1c: {  	[sflag:s17] =	ssyncset.done $0x0  }
0x1d: {  	[sflag:s17] =	ssyncadd.s32 $0xFFFFD900  }
0x1e: {  	_ =	swait.ge [sflag:s18], $0x2780  }
0x1f: {  	[sflag:s18] =	ssyncset.done $0x0  }
0x20: {  	[sflag:s18] =	ssyncadd.s32 $0xFFFFD880  }
0x21: {  	_ =	swait.ge [sflag:s19], $0x2780  }
0x22: {  	[sflag:s19] =	ssyncset.done $0x0  }
0x23: {  	s26 =	simm.s32 @!p0 $0x3;
	[sflag:s19] =	ssyncadd.s32 $0xFFFFD880  }
0x24: {  	[spmem:s20], [sflag:s8] =	dma.local @!p0 [hbm:s9], $0x100  }
0x25: {  	_ =	swait.ge @!p0 [sflag:s26], $0x100  }
0x26: {  	[sflag:s26] =	ssyncset.done @!p0 $0x0  }
0x27: {  	[sflag:s26] =	ssyncadd.s32 @!p0 $0xFFFFFF00  }
0x28: {  	[bflag:$0x0] =	sbarrier.arrive $0xFFFF  }
0x29: {  	[tilespmem:s22], [sflag:$0x1] =	stream.indirect.gather [hbm4b:s2+s21], $0x80, s4, s21, $0xb8;
	[tilespmem:$0x1D780] =	vst v63  }
0x2a: {  	s31 =	simm.s32 $0x50  }
0x2b: {  	[tilespmem:s23], [sflag:$0x2] =	stream.indirect.gather [hbm4b:s2+s21], $0x80, s31, s21, $0xb8;
	[tilespmem:$0x1D780] =	vst v63  }
0x2c: {  	_ =	swait.ge [sflag:s18], $0x2800  }
0x2d: {  	[sflag:s18] =	ssyncset.done $0x0  }
0x2e: {  	s29 =	simm.s32 $0x2780;
	[sflag:s18] =	ssyncadd.s32 $0xFFFFD800  }
0x2f: {  	[spmem:s3] =	stream.indirect.scatter.add.f32 [tilespmem:s22], [sflag:$0x3], $0x80, s29, s21, $0xb8;
	[tilespmem:$0x1D780] =	vst v63  }
0x30: {  	_ =	swait.ge [sflag:s17], $0x2800  }
0x31: {  	[sflag:s17] =	ssyncset.done $0x0  }
0x32: {  	s30 =	simm.s32 $0xA0;
	[sflag:s17] =	ssyncadd.s32 $0xFFFFD800  }
0x33: {  	[tilespmem:s22], [sflag:$0x1] =	stream.indirect.gather [hbm4b:s2+s21], $0x80, s30, s21, $0xb8;
	[tilespmem:$0x1D780] =	vst v63  }
0x34: {  	_ =	swait.ge [sflag:s19], $0x2800  }
0x35: {  	[sflag:s19] =	ssyncset.done $0x0  }
0x36: {  	s31 =	simm.s32 $0x27D0;
	[sflag:s19] =	ssyncadd.s32 $0xFFFFD800  }
0x37: {  	[spmem:s3] =	stream.indirect.scatter.add.f32 [tilespmem:s23], [sflag:$0x3], $0x80, s31, s21, $0xb8;
	[tilespmem:$0x1D780] =	vst v63  }
0x38: {  	_ =	swait.ge [sflag:s17], $0x2800  }
0x39: {  	s28 =	simm.s32 $0x500;
	s26 =	simm.s32 $0xA0;
	[sflag:s17] =	ssyncset.done $0x0  }
.LBB2_2:
0x3a: {  	s29 =	sadd.s32 $0x50, s26  }
0x3b: {  	[sflag:s17] =	ssyncadd.s32 $0xFFFFD800;
	s30 =	smov.u32 s28;
	s31 =	sadd.s32 $0x280, s28  }
0x3c: {  	[tilespmem:s23], [sflag:$0x2] =	stream.indirect.gather [hbm4b:s2+s21], $0x80, s29, s21, $0xb8;
	[tilespmem:$0x1D780] =	vst v63  }
0x3d: {  	p1 =	sne.s32 s28, $0x9880;
	_ =	swait.ge [sflag:s18], $0x2800  }
0x3e: {  	[sflag:s18] =	ssyncset.done $0x0  }
0x3f: {  	s28 =	sadd.s32 $0x2780, s26;
	[sflag:s18] =	ssyncadd.s32 $0xFFFFD800  }
0x40: {  	[spmem:s3] =	stream.indirect.scatter.add.f32 [tilespmem:s22], [sflag:$0x3], $0x80, s28, s21, $0xb8;
	[tilespmem:$0x1D780] =	vst v63  }
0x41: {  	_ =	swait.ge [sflag:s17], $0x2800  }
0x42: {  	[sflag:s17] =	ssyncset.done $0x0  }
0x43: {  	s28 =	sadd.s32 $0xA0, s26;
	[sflag:s17] =	ssyncadd.s32 $0xFFFFD800  }
0x44: {  	[tilespmem:s22], [sflag:$0x1] =	stream.indirect.gather [hbm4b:s2+s21], $0x80, s28, s21, $0xb8;
	[tilespmem:$0x1D780] =	vst v63  }
0x45: {  	_ =	swait.ge [sflag:s19], $0x2800  }
.Ltmp0:
0x46: {  	[sflag:s19] =	ssyncset.done $0x0;
	(pc) =	sbr.rel @p1 .LBB2_2-.Ltmp0, $4  }
0x47: {  	s26 =	sadd.s32 $0x27D0, s26;
	[sflag:s19] =	ssyncadd.s32 $0xFFFFD800  }
0x48: {  	[spmem:s3] =	stream.indirect.scatter.add.f32 [tilespmem:s23], [sflag:$0x3], $0x80, s26, s21, $0xb8;
	[tilespmem:$0x1D780] =	vst v63  }
0x49: {  	_ =	swait.ge [sflag:s17], $0x2800  }
0x4a: {  	s28 =	smov.u32 s31;
	s26 =	sshra.s32 s30, $0x2;
	[sflag:s17] =	ssyncset.done $0x0  }
0x4b: {  	s28 =	sadd.s32 $0x50, s26;
	[sflag:s17] =	ssyncadd.s32 $0xFFFFD800  }
0x4c: {  	[tilespmem:s23], [sflag:$0x2] =	stream.indirect.gather [hbm4b:s2+s21], $0x80, s28, s21, $0xb8;
	[tilespmem:$0x1D780] =	vst v63  }
0x4d: {  	_ =	swait.ge [sflag:s18], $0x2800  }
0x4e: {  	[sflag:s18] =	ssyncset.done $0x0  }
0x4f: {  	s29 =	sadd.s32 $0x2780, s26;
	[sflag:s18] =	ssyncadd.s32 $0xFFFFD800  }
0x50: {  	[spmem:s3] =	stream.indirect.scatter.add.f32 [tilespmem:s22], [sflag:$0x3], $0x80, s29, s21, $0xb8;
	[tilespmem:$0x1D780] =	vst v63  }
0x51: {  	_ =	swait.ge [sflag:s17], $0x2800  }
0x52: {  	[sflag:s17] =	ssyncset.done $0x0  }
0x53: {  	s30 =	sadd.s32 $0xA0, s26;
	[sflag:s17] =	ssyncadd.s32 $0xFFFFD800  }
0x54: {  	[tilespmem:s22], [sflag:$0x1] =	stream.indirect.gather [hbm4b:s2+s21], $0x80, s30, s21, $0xb8;
	[tilespmem:$0x1D780] =	vst v63  }
0x55: {  	_ =	swait.ge [sflag:s19], $0x2800  }
0x56: {  	[sflag:s19] =	ssyncset.done $0x0  }
0x57: {  	s31 =	sadd.s32 $0x27D0, s26;
	[sflag:s19] =	ssyncadd.s32 $0xFFFFD800  }
0x58: {  	[spmem:s3] =	stream.indirect.scatter.add.f32 [tilespmem:s23], [sflag:$0x3], $0x80, s31, s21, $0xb8;
	[tilespmem:$0x1D780] =	vst v63  }
0x59: {  	_ =	swait.ge [sflag:s17], $0x2800  }
0x5a: {  	[sflag:s17] =	ssyncset.done $0x0  }
0x5b: {  	[sflag:s17] =	ssyncadd.s32 $0xFFFFD800  }
0x5c: {  	_ =	swait.ge [sflag:s18], $0x2800  }
0x5d: {  	[sflag:s18] =	ssyncset.done $0x0  }
0x5e: {  	[sflag:s18] =	ssyncadd.s32 $0xFFFFD800  }
0x5f: {  	[spmem:s3] =	stream.indirect.scatter.add.f32 [tilespmem:s22], [sflag:$0x3], $0x80, s24, s21, $0xb8;
	[tilespmem:$0x1D780] =	vst v63  }
0x60: {  	_ =	swait.ge [sflag:s17], $0x2800  }
0x61: {  	[sflag:s17] =	ssyncset.done $0x0  }
0x62: {  	[sflag:s17] =	ssyncadd.s32 $0xFFFFD800  }
0x63: {  	[bflag:$0x0] =	sbarrier.arrive $0xFFFF  }
0x64: {  	[hbm:s10], [sflag:s8] =	dma.local [spmem:s16], $0x2700  }
0x65: {  	s25 =	sadd.s32 $0x1, s25;
	_ =	swait.ge [sflag:s17], $0x2700  }
0x66: {  	p1 =	sne.s32 s25, s12;
	[sflag:s17] =	ssyncset.done $0x0  }
.Ltmp1:
0x67: {  	s26 =	simm.s32 @!p0 $0x3;
	[sflag:s17] =	ssyncadd.s32 $0xFFFFD900;
	(pc) =	sbr.rel @p1 .LBB2_1-.Ltmp1, $4  }
0x68: {  	[hbm:s11], [sflag:s8] =	dma.local @!p0 [spmem:s20], $0x100  }
0x69: {  	_ =	swait.ge @!p0 [sflag:s26], $0x100  }
0x6a: {  	[sflag:s26] =	ssyncset.done @!p0 $0x0  }
0x6b: {  	[sflag:s26] =	ssyncadd.s32 @!p0 $0xFFFFFF00  }
0x6c: {  	_ =	sfence.sel $0x180000  }
0x6d: {  	[bflag:$0x0] =	sbarrier.arrive $0xFFFF  }
0x6e: {  	p0 =	sne.s32 s1, $0x0;
	_ =	strace $0x90000047  }
0x6f: {  	s0 =	sadd.s32 @!p0 $0x100000, s0;
	[bflag:$0x2] =	sbarrier.arrive $0xFFFF  }
0x70: {  	[sflag:s0] =	ssyncadd.tile.s32 @!p0 $0x1;
	_ =	shalt  }
.Lfunc_end2:
_tile_overlayer_lowered:
.L_overlay_start_2:
0x71: {  	(tag) =	ssettag $0x2  }
0x72: {  	s0 =	rddreg [dreg:$0x0];
	s2 =	stileid.u32  }
0x73: {  	s1 =	rddreg [dreg:$0x1];
	p0 =	sne.s32 s2, $0x0  }
0x74: {  	s3 =	rddreg [dreg:$0x2];
	[bflag:$0x3] =	sbarrier.arrive $0xFFFF;
	s2 =	simm.s32 @!p0 $0x1C03  }
0x75: {  	[timem:s3], [sflag:s2] =	dma.local @!p0 [hbm:s0], s1  }
0x76: {  	s0 =	simm.s32 @!p0 $0x3  }
0x77: {  	_ =	swait.ge @!p0 [sflag:s0], s1  }
0x78: {  	s1 =	ssub.s32 @!p0 $0x0, s1;
	[sflag:s0] =	ssyncset.done @!p0 $0x0  }
0x79: {  	[sflag:s0] =	ssyncadd.s32 @!p0 s1  }
0x7a: {  	[bflag:$0x3] =	sbarrier.arrive $0xFFFF  }
0x7b: {  	_ =	shalt  }

</sc_bundles>
